<compile_context>
chip_gen: v7x
topology: tpu7x:2x2x1
jax: 0.10.2.dev20260603
libtpu: 0.0.44.dev20260713+nightly
codegen_flags: <defaults>
</compile_context>

<pallas_src>
import functools

import jax
import jax.numpy as jnp
from jax import lax
from jax.experimental import pallas as pl
from jax.experimental.pallas import tpu as pltpu
from jax.experimental.pallas import tpu_sc as plsc


@functools.lru_cache(maxsize=None)
def _make_sc_lookup(V, D, T, B):
    info = plsc.get_sparse_core_info()
    NC, NS, L = info.num_cores, info.num_subcores, info.num_lanes
    NW = NC * NS
    assert D == L and B % (NW * L) == 0
    bw = B // NW
    n_h = bw // L

    mesh = plsc.VectorSubcoreMesh(core_axis_name="c", subcore_axis_name="s")

    @functools.partial(
        pl.kernel,
        out_type=jax.ShapeDtypeStruct((T, D, B), jnp.float32),
        mesh=mesh,
        compiler_params=pltpu.CompilerParams(
            use_tc_tiling_on_sc=False, needs_layout_passes=False
        ),
        scratch_types=[
            pltpu.VMEM((V * D,), jnp.float32),
            pltpu.VMEM((T, bw), jnp.int32),
            pltpu.VMEM((T, D, bw), jnp.float32),
        ],
    )
    def lookup(emb_hbm, ids_hbm, xt_hbm, emb_v, idx_v, tbuf):
        wid = lax.axis_index("s") * NC + lax.axis_index("c")
        bcol = wid * bw
        pltpu.sync_copy(emb_hbm, emb_v)
        pltpu.sync_copy(ids_hbm.at[:, pl.ds(bcol, bw)], idx_v)

        @plsc.parallel_loop(0, T, unroll=2)
        def tok(t):
            for h in range(n_h):
                idx_g = idx_v[t, pl.ds(h * L, L)]
                for d in range(D):
                    tbuf[t, d, pl.ds(h * L, L)] = plsc.load_gather(
                        emb_v, [idx_g * D + d]
                    )
        pltpu.sync_copy(tbuf, xt_hbm.at[:, :, pl.ds(bcol, bw)])

    return lookup


@functools.lru_cache(maxsize=None)
def _make_tc_head(T, BT, V, D, B):
    assert T % BT == 0

    def body(xt_ref, w_ref, b_ref, out_ref):
        for j in range(BT):
            out_ref[j] = (
                lax.dot_general(
                    w_ref[...], xt_ref[j],
                    dimension_numbers=(((0,), (0,)), ((), ())),
                    preferred_element_type=jnp.float32,
                )
                + b_ref[...]
            )

    return pl.pallas_call(
        body,
        grid=(T // BT,),
        in_specs=[
            pl.BlockSpec((BT, D, B), lambda i: (i, 0, 0)),
            pl.BlockSpec((D, V), lambda i: (0, 0)),
            pl.BlockSpec((V, 1), lambda i: (0, 0)),
        ],
        out_specs=pl.BlockSpec((BT, V, B), lambda i: (i, 0, 0)),
        out_shape=jax.ShapeDtypeStruct((T, V, B), jnp.float32),
        compiler_params=pltpu.CompilerParams(
            dimension_semantics=("parallel",),
            fuse_transposed_lhs_in_matmul=True,
        ),
    )


def kernel(input_ids, emb_table, W, b):
    Bsz, T = input_ids.shape
    V, D = emb_table.shape
    Vout = W.shape[1]

    ids_t = input_ids.astype(jnp.int32).T
    xt3 = _make_sc_lookup(V, D, T, Bsz)(emb_table.reshape(V * D), ids_t)
    tvb = _make_tc_head(T, 2, Vout, D, Bsz)(xt3, W, b.reshape(Vout, 1))
    return jnp.transpose(tvb, (2, 0, 1))

# --- scband reference (transcript-rebuilt; emitter-appended) ---
"""Pipeline reference for scband-tiny-policy-15668040695926 (READ-ONLY COPY).

The authoritative reference and input builder live on the scoring server;
editing this copy changes nothing except your own understanding.
"""

import jax, jax.numpy as jnp
import numpy as np

D_MODEL = 16
VOCAB = 1000
B = 1024
T = 50

def setup_inputs(seed: int = 0) -> dict:
    key = jax.random.key(seed)
    k_ids, k_emb, k_w, k_b = jax.random.split(key, 4)
    input_ids = jax.random.randint(k_ids, (B, T), 0, VOCAB, dtype=jnp.int64 if jax.config.jax_enable_x64 else jnp.int32)
    # learned params: embedding table (vocab, d_model), linear head (d_model -> vocab)
    emb_table = jax.random.normal(k_emb, (VOCAB, D_MODEL), dtype=jnp.float32)
    # nn.Linear default init: uniform(-1/sqrt(fan_in), 1/sqrt(fan_in))
    bound = 1.0 / np.sqrt(D_MODEL)
    W = jax.random.uniform(k_w, (D_MODEL, VOCAB), dtype=jnp.float32, minval=-bound, maxval=bound)
    b = jax.random.uniform(k_b, (VOCAB,), dtype=jnp.float32, minval=-bound, maxval=bound)
    return {"input_ids": input_ids, "emb_table": emb_table, "W": W, "b": b}

def reference(input_ids, emb_table, W, b):
    # embedding lookup: [B, T] -> [B, T, D]
    x = jnp.take(emb_table, input_ids, axis=0)
    # linear head: [B, T, D] @ [D, V] + [V] -> [B, T, V]
    logits = jnp.einsum('btd,dv->btv', x, W) + b
    return logits

if __name__ == "__main__":
    import jax
    _d = setup_inputs()
    print(jax.jit(kernel)(*tuple(_d.values())))

</pallas_src>

<mosaic_0001>
#map = affine_map<(d0, d1) -> (0)>
#map1 = affine_map<(d0, d1) -> (0, 0)>
#map2 = affine_map<(d0, d1) -> (0, 0, 0)>
module attributes {stable_mosaic.version = 14 : i64} {
  func.func @lookup(%arg0: i32, %arg1: i32, %arg2: memref<16000xf32, #tpu.memory_space<hbm>>, %arg3: memref<50x1024xi32, #tpu.memory_space<hbm>>, %arg4: memref<50x16x1024xf32, #tpu.memory_space<hbm>>, %arg5: memref<16000xf32, #tpu.memory_space<vmem>>, %arg6: memref<50x32xi32, #tpu.memory_space<vmem>>, %arg7: memref<50x16x32xf32, #tpu.memory_space<vmem>>) attributes {dimension_semantics = [#tpu.dimension_semantics<core_parallel>, #tpu.dimension_semantics<subcore_parallel>], iteration_bounds = array<i64: 2, 16>, scalar_prefetch = 0 : i64, scratch_operands = 3 : i64, tpu.core_type = #tpu.core_type<sc_vector_subcore>, window_params = [{transform_indices = #map}, {transform_indices = #map1}, {transform_indices = #map2}]} {
    %mul3A = arith.constant 2 : i32
    %mul3A_0 = arith.muli %arg1, %mul3A : i32
    %add3A = arith.addi %mul3A_0, %arg0 : i32
    %mul3A_1 = arith.constant 32 : i32
    %mul3A_2 = arith.muli %add3A, %mul3A_1 : i32
    "tpu.region"() ({
      %run_scoped3A = tpu.sem_alloc : memref<!tpu.dma_semaphore, #tpu.memory_space<semaphore_mem>>
      tpu.enqueue_dma source(%arg2 : memref<16000xf32, #tpu.memory_space<hbm>>) target(%arg5 : memref<16000xf32, #tpu.memory_space<vmem>>) target_semaphore(%run_scoped3A : memref<!tpu.dma_semaphore, #tpu.memory_space<semaphore_mem>>)
      tpu.wait_dma2 semaphore(%run_scoped3A : memref<!tpu.dma_semaphore, #tpu.memory_space<semaphore_mem>>) src(%arg2 : memref<16000xf32, #tpu.memory_space<hbm>>) dst(%arg5 : memref<16000xf32, #tpu.memory_space<vmem>>)
      tpu.yield
    }) : () -> ()
    "tpu.region"() ({
      %run_scoped3A = tpu.sem_alloc : memref<!tpu.dma_semaphore, #tpu.memory_space<semaphore_mem>>
      %dma_start3A = arith.constant 0 : i32
      %dma_start3A_5 = tpu.memref_slice %arg3[%dma_start3A, %mul3A_2] : memref<50x1024xi32, #tpu.memory_space<hbm>> -> memref<50x32xi32, #tpu.memory_space<hbm>>
      %dma_start3A_6 = arith.constant 0 : i32
      %dma_start3A_7 = tpu.memref_slice %arg3[%dma_start3A_6, %mul3A_2] : memref<50x1024xi32, #tpu.memory_space<hbm>> -> memref<50x32xi32, #tpu.memory_space<hbm>>
      tpu.enqueue_dma source(%dma_start3A_7 : memref<50x32xi32, #tpu.memory_space<hbm>>) target(%arg6 : memref<50x32xi32, #tpu.memory_space<vmem>>) target_semaphore(%run_scoped3A : memref<!tpu.dma_semaphore, #tpu.memory_space<semaphore_mem>>)
      %dma_wait3A = arith.constant 0 : i32
      %dma_wait3A_8 = tpu.memref_slice %arg3[%dma_wait3A, %mul3A_2] : memref<50x1024xi32, #tpu.memory_space<hbm>> -> memref<50x32xi32, #tpu.memory_space<hbm>>
      %dma_wait3A_9 = arith.constant 0 : i32
      %dma_wait3A_10 = tpu.memref_slice %arg3[%dma_wait3A_9, %mul3A_2] : memref<50x1024xi32, #tpu.memory_space<hbm>> -> memref<50x32xi32, #tpu.memory_space<hbm>>
      tpu.wait_dma2 semaphore(%run_scoped3A : memref<!tpu.dma_semaphore, #tpu.memory_space<semaphore_mem>>) src(%dma_wait3A_10 : memref<50x32xi32, #tpu.memory_space<hbm>>) dst(%arg6 : memref<50x32xi32, #tpu.memory_space<vmem>>)
      tpu.yield
    }) : () -> ()
    %parallel_loop3A = arith.constant 0 : i32
    %parallel_loop3A_3 = arith.constant 50 : i32
    %parallel_loop3A_4 = arith.constant 1 : i32
    scf.for %parallel_loop3A_5 = %parallel_loop3A to %parallel_loop3A_3 step %parallel_loop3A_4  : i32 {
      %parallel_loop3A_6 = arith.index_cast %parallel_loop3A_5 : i32 to index
      %parallel_loop3A_7 = arith.constant 0 : index
      %parallel_loop3A_8 = tpu.vector_load %arg6[%parallel_loop3A_6, %parallel_loop3A_7] {strides = array<i32>} : memref<50x32xi32, #tpu.memory_space<vmem>>, vector<16xi32>,
      %parallel_loop3A_9 = arith.constant 16 : i32
      %parallel_loop3A_10 = vector.broadcast %parallel_loop3A_9 : i32 to vector<16xi32>
      %parallel_loop3A_11 = arith.muli %parallel_loop3A_8, %parallel_loop3A_10 : vector<16xi32>
      %parallel_loop3A_12 = arith.constant 0 : i32
      %parallel_loop3A_13 = vector.broadcast %parallel_loop3A_12 : i32 to vector<16xi32>
      %parallel_loop3A_14 = arith.addi %parallel_loop3A_11, %parallel_loop3A_13 : vector<16xi32>
      %parallel_loop3A_15 = tpu.vector_load_idx %arg5[%parallel_loop3A_14] : memref<16000xf32, #tpu.memory_space<vmem>>[vector<16xi32>], vector<16xf32>,
      %parallel_loop3A_16 = arith.constant 0 : i32
      %parallel_loop3A_17 = arith.index_cast %parallel_loop3A_5 : i32 to index
      %parallel_loop3A_18 = arith.index_cast %parallel_loop3A_16 : i32 to index
      %parallel_loop3A_19 = arith.constant 0 : index
      %parallel_loop3A_20 = tpu.vector_load %arg7[%parallel_loop3A_17, %parallel_loop3A_18, %parallel_loop3A_19] {strides = array<i32>} : memref<50x16x32xf32, #tpu.memory_space<vmem>>, vector<16xf32>,
      tpu.vector_store %arg7[%parallel_loop3A_17, %parallel_loop3A_18, %parallel_loop3A_19], %parallel_loop3A_15 {strides = array<i32>} : memref<50x16x32xf32, #tpu.memory_space<vmem>>, vector<16xf32>,
      %parallel_loop3A_21 = arith.constant 16 : i32
      %parallel_loop3A_22 = vector.broadcast %parallel_loop3A_21 : i32 to vector<16xi32>
      %parallel_loop3A_23 = arith.muli %parallel_loop3A_8, %parallel_loop3A_22 : vector<16xi32>
      %parallel_loop3A_24 = arith.constant 1 : i32
      %parallel_loop3A_25 = vector.broadcast %parallel_loop3A_24 : i32 to vector<16xi32>
      %parallel_loop3A_26 = arith.addi %parallel_loop3A_23, %parallel_loop3A_25 : vector<16xi32>
      %parallel_loop3A_27 = tpu.vector_load_idx %arg5[%parallel_loop3A_26] : memref<16000xf32, #tpu.memory_space<vmem>>[vector<16xi32>], vector<16xf32>,
      %parallel_loop3A_28 = arith.constant 1 : i32
      %parallel_loop3A_29 = arith.index_cast %parallel_loop3A_5 : i32 to index
      %parallel_loop3A_30 = arith.index_cast %parallel_loop3A_28 : i32 to index
      %parallel_loop3A_31 = arith.constant 0 : index
      %parallel_loop3A_32 = tpu.vector_load %arg7[%parallel_loop3A_29, %parallel_loop3A_30, %parallel_loop3A_31] {strides = array<i32>} : memref<50x16x32xf32, #tpu.memory_space<vmem>>, vector<16xf32>,
      tpu.vector_store %arg7[%parallel_loop3A_29, %parallel_loop3A_30, %parallel_loop3A_31], %parallel_loop3A_27 {strides = array<i32>} : memref<50x16x32xf32, #tpu.memory_space<vmem>>, vector<16xf32>,
      %parallel_loop3A_33 = arith.constant 16 : i32
      %parallel_loop3A_34 = vector.broadcast %parallel_loop3A_33 : i32 to vector<16xi32>
      %parallel_loop3A_35 = arith.muli %parallel_loop3A_8, %parallel_loop3A_34 : vector<16xi32>
      %parallel_loop3A_36 = arith.constant 2 : i32
      %parallel_loop3A_37 = vector.broadcast %parallel_loop3A_36 : i32 to vector<16xi32>
      %parallel_loop3A_38 = arith.addi %parallel_loop3A_35, %parallel_loop3A_37 : vector<16xi32>
      %parallel_loop3A_39 = tpu.vector_load_idx %arg5[%parallel_loop3A_38] : memref<16000xf32, #tpu.memory_space<vmem>>[vector<16xi32>], vector<16xf32>,
      %parallel_loop3A_40 = arith.constant 2 : i32
      %parallel_loop3A_41 = arith.index_cast %parallel_loop3A_5 : i32 to index
      %parallel_loop3A_42 = arith.index_cast %parallel_loop3A_40 : i32 to index
      %parallel_loop3A_43 = arith.constant 0 : index
      %parallel_loop3A_44 = tpu.vector_load %arg7[%parallel_loop3A_41, %parallel_loop3A_42, %parallel_loop3A_43] {strides = array<i32>} : memref<50x16x32xf32, #tpu.memory_space<vmem>>, vector<16xf32>,
      tpu.vector_store %arg7[%parallel_loop3A_41, %parallel_loop3A_42, %parallel_loop3A_43], %parallel_loop3A_39 {strides = array<i32>} : memref<50x16x32xf32, #tpu.memory_space<vmem>>, vector<16xf32>,
      %parallel_loop3A_45 = arith.constant 16 : i32
      %parallel_loop3A_46 = vector.broadcast %parallel_loop3A_45 : i32 to vector<16xi32>
      %parallel_loop3A_47 = arith.muli %parallel_loop3A_8, %parallel_loop3A_46 : vector<16xi32>
      %parallel_loop3A_48 = arith.constant 3 : i32
      %parallel_loop3A_49 = vector.broadcast %parallel_loop3A_48 : i32 to vector<16xi32>
      %parallel_loop3A_50 = arith.addi %parallel_loop3A_47, %parallel_loop3A_49 : vector<16xi32>
      %parallel_loop3A_51 = tpu.vector_load_idx %arg5[%parallel_loop3A_50] : memref<16000xf32, #tpu.memory_space<vmem>>[vector<16xi32>], vector<16xf32>,
      %parallel_loop3A_52 = arith.constant 3 : i32
      %parallel_loop3A_53 = arith.index_cast %parallel_loop3A_5 : i32 to index
      %parallel_loop3A_54 = arith.index_cast %parallel_loop3A_52 : i32 to index
      %parallel_loop3A_55 = arith.constant 0 : index
      %parallel_loop3A_56 = tpu.vector_load %arg7[%parallel_loop3A_53, %parallel_loop3A_54, %parallel_loop3A_55] {strides = array<i32>} : memref<50x16x32xf32, #tpu.memory_space<vmem>>, vector<16xf32>,
      tpu.vector_store %arg7[%parallel_loop3A_53, %parallel_loop3A_54, %parallel_loop3A_55], %parallel_loop3A_51 {strides = array<i32>} : memref<50x16x32xf32, #tpu.memory_space<vmem>>, vector<16xf32>,
      %parallel_loop3A_57 = arith.constant 16 : i32
      %parallel_loop3A_58 = vector.broadcast %parallel_loop3A_57 : i32 to vector<16xi32>
      %parallel_loop3A_59 = arith.muli %parallel_loop3A_8, %parallel_loop3A_58 : vector<16xi32>
      %parallel_loop3A_60 = arith.constant 4 : i32
      %parallel_loop3A_61 = vector.broadcast %parallel_loop3A_60 : i32 to vector<16xi32>
      %parallel_loop3A_62 = arith.addi %parallel_loop3A_59, %parallel_loop3A_61 : vector<16xi32>
      %parallel_loop3A_63 = tpu.vector_load_idx %arg5[%parallel_loop3A_62] : memref<16000xf32, #tpu.memory_space<vmem>>[vector<16xi32>], vector<16xf32>,
      %parallel_loop3A_64 = arith.constant 4 : i32
      %parallel_loop3A_65 = arith.index_cast %parallel_loop3A_5 : i32 to index
      %parallel_loop3A_66 = arith.index_cast %parallel_loop3A_64 : i32 to index
      %parallel_loop3A_67 = arith.constant 0 : index
      %parallel_loop3A_68 = tpu.vector_load %arg7[%parallel_loop3A_65, %parallel_loop3A_66, %parallel_loop3A_67] {strides = array<i32>} : memref<50x16x32xf32, #tpu.memory_space<vmem>>, vector<16xf32>,
      tpu.vector_store %arg7[%parallel_loop3A_65, %parallel_loop3A_66, %parallel_loop3A_67], %parallel_loop3A_63 {strides = array<i32>} : memref<50x16x32xf32, #tpu.memory_space<vmem>>, vector<16xf32>,
      %parallel_loop3A_69 = arith.constant 16 : i32
      %parallel_loop3A_70 = vector.broadcast %parallel_loop3A_69 : i32 to vector<16xi32>
      %parallel_loop3A_71 = arith.muli %parallel_loop3A_8, %parallel_loop3A_70 : vector<16xi32>
      %parallel_loop3A_72 = arith.constant 5 : i32
      %parallel_loop3A_73 = vector.broadcast %parallel_loop3A_72 : i32 to vector<16xi32>
      %parallel_loop3A_74 = arith.addi %parallel_loop3A_71, %parallel_loop3A_73 : vector<16xi32>
      %parallel_loop3A_75 = tpu.vector_load_idx %arg5[%parallel_loop3A_74] : memref<16000xf32, #tpu.memory_space<vmem>>[vector<16xi32>], vector<16xf32>,
      %parallel_loop3A_76 = arith.constant 5 : i32
      %parallel_loop3A_77 = arith.index_cast %parallel_loop3A_5 : i32 to index
      %parallel_loop3A_78 = arith.index_cast %parallel_loop3A_76 : i32 to index
      %parallel_loop3A_79 = arith.constant 0 : index
      %parallel_loop3A_80 = tpu.vector_load %arg7[%parallel_loop3A_77, %parallel_loop3A_78, %parallel_loop3A_79] {strides = array<i32>} : memref<50x16x32xf32, #tpu.memory_space<vmem>>, vector<16xf32>,
      tpu.vector_store %arg7[%parallel_loop3A_77, %parallel_loop3A_78, %parallel_loop3A_79], %parallel_loop3A_75 {strides = array<i32>} : memref<50x16x32xf32, #tpu.memory_space<vmem>>, vector<16xf32>,
      %parallel_loop3A_81 = arith.constant 16 : i32
      %parallel_loop3A_82 = vector.broadcast %parallel_loop3A_81 : i32 to vector<16xi32>
      %parallel_loop3A_83 = arith.muli %parallel_loop3A_8, %parallel_loop3A_82 : vector<16xi32>
      %parallel_loop3A_84 = arith.constant 6 : i32
      %parallel_loop3A_85 = vector.broadcast %parallel_loop3A_84 : i32 to vector<16xi32>
      %parallel_loop3A_86 = arith.addi %parallel_loop3A_83, %parallel_loop3A_85 : vector<16xi32>
      %parallel_loop3A_87 = tpu.vector_load_idx %arg5[%parallel_loop3A_86] : memref<16000xf32, #tpu.memory_space<vmem>>[vector<16xi32>], vector<16xf32>,
      %parallel_loop3A_88 = arith.constant 6 : i32
      %parallel_loop3A_89 = arith.index_cast %parallel_loop3A_5 : i32 to index
      %parallel_loop3A_90 = arith.index_cast %parallel_loop3A_88 : i32 to index
      %parallel_loop3A_91 = arith.constant 0 : index
      %parallel_loop3A_92 = tpu.vector_load %arg7[%parallel_loop3A_89, %parallel_loop3A_90, %parallel_loop3A_91] {strides = array<i32>} : memref<50x16x32xf32, #tpu.memory_space<vmem>>, vector<16xf32>,
      tpu.vector_store %arg7[%parallel_loop3A_89, %parallel_loop3A_90, %parallel_loop3A_91], %parallel_loop3A_87 {strides = array<i32>} : memref<50x16x32xf32, #tpu.memory_space<vmem>>, vector<16xf32>,
      %parallel_loop3A_93 = arith.constant 16 : i32
      %parallel_loop3A_94 = vector.broadcast %parallel_loop3A_93 : i32 to vector<16xi32>
      %parallel_loop3A_95 = arith.muli %parallel_loop3A_8, %parallel_loop3A_94 : vector<16xi32>
      %parallel_loop3A_96 = arith.constant 7 : i32
      %parallel_loop3A_97 = vector.broadcast %parallel_loop3A_96 : i32 to vector<16xi32>
      %parallel_loop3A_98 = arith.addi %parallel_loop3A_95, %parallel_loop3A_97 : vector<16xi32>
      %parallel_loop3A_99 = tpu.vector_load_idx %arg5[%parallel_loop3A_98] : memref<16000xf32, #tpu.memory_space<vmem>>[vector<16xi32>], vector<16xf32>,
      %parallel_loop3A_100 = arith.constant 7 : i32
      %parallel_loop3A_101 = arith.index_cast %parallel_loop3A_5 : i32 to index
      %parallel_loop3A_102 = arith.index_cast %parallel_loop3A_100 : i32 to index
      %parallel_loop3A_103 = arith.constant 0 : index
      %parallel_loop3A_104 = tpu.vector_load %arg7[%parallel_loop3A_101, %parallel_loop3A_102, %parallel_loop3A_103] {strides = array<i32>} : memref<50x16x32xf32, #tpu.memory_space<vmem>>, vector<16xf32>,
      tpu.vector_store %arg7[%parallel_loop3A_101, %parallel_loop3A_102, %parallel_loop3A_103], %parallel_loop3A_99 {strides = array<i32>} : memref<50x16x32xf32, #tpu.memory_space<vmem>>, vector<16xf32>,
      %parallel_loop3A_105 = arith.constant 16 : i32
      %parallel_loop3A_106 = vector.broadcast %parallel_loop3A_105 : i32 to vector<16xi32>
      %parallel_loop3A_107 = arith.muli %parallel_loop3A_8, %parallel_loop3A_106 : vector<16xi32>
      %parallel_loop3A_108 = arith.constant 8 : i32
      %parallel_loop3A_109 = vector.broadcast %parallel_loop3A_108 : i32 to vector<16xi32>
      %parallel_loop3A_110 = arith.addi %parallel_loop3A_107, %parallel_loop3A_109 : vector<16xi32>
      %parallel_loop3A_111 = tpu.vector_load_idx %arg5[%parallel_loop3A_110] : memref<16000xf32, #tpu.memory_space<vmem>>[vector<16xi32>], vector<16xf32>,
      %parallel_loop3A_112 = arith.constant 8 : i32
      %parallel_loop3A_113 = arith.index_cast %parallel_loop3A_5 : i32 to index
      %parallel_loop3A_114 = arith.index_cast %parallel_loop3A_112 : i32 to index
      %parallel_loop3A_115 = arith.constant 0 : index
      %parallel_loop3A_116 = tpu.vector_load %arg7[%parallel_loop3A_113, %parallel_loop3A_114, %parallel_loop3A_115] {strides = array<i32>} : memref<50x16x32xf32, #tpu.memory_space<vmem>>, vector<16xf32>,
      tpu.vector_store %arg7[%parallel_loop3A_113, %parallel_loop3A_114, %parallel_loop3A_115], %parallel_loop3A_111 {strides = array<i32>} : memref<50x16x32xf32, #tpu.memory_space<vmem>>, vector<16xf32>,
      %parallel_loop3A_117 = arith.constant 16 : i32
      %parallel_loop3A_118 = vector.broadcast %parallel_loop3A_117 : i32 to vector<16xi32>
      %parallel_loop3A_119 = arith.muli %parallel_loop3A_8, %parallel_loop3A_118 : vector<16xi32>
      %parallel_loop3A_120 = arith.constant 9 : i32
      %parallel_loop3A_121 = vector.broadcast %parallel_loop3A_120 : i32 to vector<16xi32>
      %parallel_loop3A_122 = arith.addi %parallel_loop3A_119, %parallel_loop3A_121 : vector<16xi32>
      %parallel_loop3A_123 = tpu.vector_load_idx %arg5[%parallel_loop3A_122] : memref<16000xf32, #tpu.memory_space<vmem>>[vector<16xi32>], vector<16xf32>,
      %parallel_loop3A_124 = arith.constant 9 : i32
      %parallel_loop3A_125 = arith.index_cast %parallel_loop3A_5 : i32 to index
      %parallel_loop3A_126 = arith.index_cast %parallel_loop3A_124 : i32 to index
      %parallel_loop3A_127 = arith.constant 0 : index
      %parallel_loop3A_128 = tpu.vector_load %arg7[%parallel_loop3A_125, %parallel_loop3A_126, %parallel_loop3A_127] {strides = array<i32>} : memref<50x16x32xf32, #tpu.memory_space<vmem>>, vector<16xf32>,
      tpu.vector_store %arg7[%parallel_loop3A_125, %parallel_loop3A_126, %parallel_loop3A_127], %parallel_loop3A_123 {strides = array<i32>} : memref<50x16x32xf32, #tpu.memory_space<vmem>>, vector<16xf32>,
      %parallel_loop3A_129 = arith.constant 16 : i32
      %parallel_loop3A_130 = vector.broadcast %parallel_loop3A_129 : i32 to vector<16xi32>
      %parallel_loop3A_131 = arith.muli %parallel_loop3A_8, %parallel_loop3A_130 : vector<16xi32>
      %parallel_loop3A_132 = arith.constant 10 : i32
      %parallel_loop3A_133 = vector.broadcast %parallel_loop3A_132 : i32 to vector<16xi32>
      %parallel_loop3A_134 = arith.addi %parallel_loop3A_131, %parallel_loop3A_133 : vector<16xi32>
      %parallel_loop3A_135 = tpu.vector_load_idx %arg5[%parallel_loop3A_134] : memref<16000xf32, #tpu.memory_space<vmem>>[vector<16xi32>], vector<16xf32>,
      %parallel_loop3A_136 = arith.constant 10 : i32
      %parallel_loop3A_137 = arith.index_cast %parallel_loop3A_5 : i32 to index
      %parallel_loop3A_138 = arith.index_cast %parallel_loop3A_136 : i32 to index
      %parallel_loop3A_139 = arith.constant 0 : index
      %parallel_loop3A_140 = tpu.vector_load %arg7[%parallel_loop3A_137, %parallel_loop3A_138, %parallel_loop3A_139] {strides = array<i32>} : memref<50x16x32xf32, #tpu.memory_space<vmem>>, vector<16xf32>,
      tpu.vector_store %arg7[%parallel_loop3A_137, %parallel_loop3A_138, %parallel_loop3A_139], %parallel_loop3A_135 {strides = array<i32>} : memref<50x16x32xf32, #tpu.memory_space<vmem>>, vector<16xf32>,
      %parallel_loop3A_141 = arith.constant 16 : i32
      %parallel_loop3A_142 = vector.broadcast %parallel_loop3A_141 : i32 to vector<16xi32>
      %parallel_loop3A_143 = arith.muli %parallel_loop3A_8, %parallel_loop3A_142 : vector<16xi32>
      %parallel_loop3A_144 = arith.constant 11 : i32
      %parallel_loop3A_145 = vector.broadcast %parallel_loop3A_144 : i32 to vector<16xi32>
      %parallel_loop3A_146 = arith.addi %parallel_loop3A_143, %parallel_loop3A_145 : vector<16xi32>
      %parallel_loop3A_147 = tpu.vector_load_idx %arg5[%parallel_loop3A_146] : memref<16000xf32, #tpu.memory_space<vmem>>[vector<16xi32>], vector<16xf32>,
      %parallel_loop3A_148 = arith.constant 11 : i32
      %parallel_loop3A_149 = arith.index_cast %parallel_loop3A_5 : i32 to index
      %parallel_loop3A_150 = arith.index_cast %parallel_loop3A_148 : i32 to index
      %parallel_loop3A_151 = arith.constant 0 : index
      %parallel_loop3A_152 = tpu.vector_load %arg7[%parallel_loop3A_149, %parallel_loop3A_150, %parallel_loop3A_151] {strides = array<i32>} : memref<50x16x32xf32, #tpu.memory_space<vmem>>, vector<16xf32>,
      tpu.vector_store %arg7[%parallel_loop3A_149, %parallel_loop3A_150, %parallel_loop3A_151], %parallel_loop3A_147 {strides = array<i32>} : memref<50x16x32xf32, #tpu.memory_space<vmem>>, vector<16xf32>,
      %parallel_loop3A_153 = arith.constant 16 : i32
      %parallel_loop3A_154 = vector.broadcast %parallel_loop3A_153 : i32 to vector<16xi32>
      %parallel_loop3A_155 = arith.muli %parallel_loop3A_8, %parallel_loop3A_154 : vector<16xi32>
      %parallel_loop3A_156 = arith.constant 12 : i32
      %parallel_loop3A_157 = vector.broadcast %parallel_loop3A_156 : i32 to vector<16xi32>
      %parallel_loop3A_158 = arith.addi %parallel_loop3A_155, %parallel_loop3A_157 : vector<16xi32>
      %parallel_loop3A_159 = tpu.vector_load_idx %arg5[%parallel_loop3A_158] : memref<16000xf32, #tpu.memory_space<vmem>>[vector<16xi32>], vector<16xf32>,
      %parallel_loop3A_160 = arith.constant 12 : i32
      %parallel_loop3A_161 = arith.index_cast %parallel_loop3A_5 : i32 to index
      %parallel_loop3A_162 = arith.index_cast %parallel_loop3A_160 : i32 to index
      %parallel_loop3A_163 = arith.constant 0 : index
      %parallel_loop3A_164 = tpu.vector_load %arg7[%parallel_loop3A_161, %parallel_loop3A_162, %parallel_loop3A_163] {strides = array<i32>} : memref<50x16x32xf32, #tpu.memory_space<vmem>>, vector<16xf32>,
      tpu.vector_store %arg7[%parallel_loop3A_161, %parallel_loop3A_162, %parallel_loop3A_163], %parallel_loop3A_159 {strides = array<i32>} : memref<50x16x32xf32, #tpu.memory_space<vmem>>, vector<16xf32>,
      %parallel_loop3A_165 = arith.constant 16 : i32
      %parallel_loop3A_166 = vector.broadcast %parallel_loop3A_165 : i32 to vector<16xi32>
      %parallel_loop3A_167 = arith.muli %parallel_loop3A_8, %parallel_loop3A_166 : vector<16xi32>
      %parallel_loop3A_168 = arith.constant 13 : i32
      %parallel_loop3A_169 = vector.broadcast %parallel_loop3A_168 : i32 to vector<16xi32>
      %parallel_loop3A_170 = arith.addi %parallel_loop3A_167, %parallel_loop3A_169 : vector<16xi32>
      %parallel_loop3A_171 = tpu.vector_load_idx %arg5[%parallel_loop3A_170] : memref<16000xf32, #tpu.memory_space<vmem>>[vector<16xi32>], vector<16xf32>,
      %parallel_loop3A_172 = arith.constant 13 : i32
      %parallel_loop3A_173 = arith.index_cast %parallel_loop3A_5 : i32 to index
      %parallel_loop3A_174 = arith.index_cast %parallel_loop3A_172 : i32 to index
      %parallel_loop3A_175 = arith.constant 0 : index
      %parallel_loop3A_176 = tpu.vector_load %arg7[%parallel_loop3A_173, %parallel_loop3A_174, %parallel_loop3A_175] {strides = array<i32>} : memref<50x16x32xf32, #tpu.memory_space<vmem>>, vector<16xf32>,
      tpu.vector_store %arg7[%parallel_loop3A_173, %parallel_loop3A_174, %parallel_loop3A_175], %parallel_loop3A_171 {strides = array<i32>} : memref<50x16x32xf32, #tpu.memory_space<vmem>>, vector<16xf32>,
      %parallel_loop3A_177 = arith.constant 16 : i32
      %parallel_loop3A_178 = vector.broadcast %parallel_loop3A_177 : i32 to vector<16xi32>
      %parallel_loop3A_179 = arith.muli %parallel_loop3A_8, %parallel_loop3A_178 : vector<16xi32>
      %parallel_loop3A_180 = arith.constant 14 : i32
      %parallel_loop3A_181 = vector.broadcast %parallel_loop3A_180 : i32 to vector<16xi32>
      %parallel_loop3A_182 = arith.addi %parallel_loop3A_179, %parallel_loop3A_181 : vector<16xi32>
      %parallel_loop3A_183 = tpu.vector_load_idx %arg5[%parallel_loop3A_182] : memref<16000xf32, #tpu.memory_space<vmem>>[vector<16xi32>], vector<16xf32>,
      %parallel_loop3A_184 = arith.constant 14 : i32
      %parallel_loop3A_185 = arith.index_cast %parallel_loop3A_5 : i32 to index
      %parallel_loop3A_186 = arith.index_cast %parallel_loop3A_184 : i32 to index
      %parallel_loop3A_187 = arith.constant 0 : index
      %parallel_loop3A_188 = tpu.vector_load %arg7[%parallel_loop3A_185, %parallel_loop3A_186, %parallel_loop3A_187] {strides = array<i32>} : memref<50x16x32xf32, #tpu.memory_space<vmem>>, vector<16xf32>,
      tpu.vector_store %arg7[%parallel_loop3A_185, %parallel_loop3A_186, %parallel_loop3A_187], %parallel_loop3A_183 {strides = array<i32>} : memref<50x16x32xf32, #tpu.memory_space<vmem>>, vector<16xf32>,
      %parallel_loop3A_189 = arith.constant 16 : i32
      %parallel_loop3A_190 = vector.broadcast %parallel_loop3A_189 : i32 to vector<16xi32>
      %parallel_loop3A_191 = arith.muli %parallel_loop3A_8, %parallel_loop3A_190 : vector<16xi32>
      %parallel_loop3A_192 = arith.constant 15 : i32
      %parallel_loop3A_193 = vector.broadcast %parallel_loop3A_192 : i32 to vector<16xi32>
      %parallel_loop3A_194 = arith.addi %parallel_loop3A_191, %parallel_loop3A_193 : vector<16xi32>
      %parallel_loop3A_195 = tpu.vector_load_idx %arg5[%parallel_loop3A_194] : memref<16000xf32, #tpu.memory_space<vmem>>[vector<16xi32>], vector<16xf32>,
      %parallel_loop3A_196 = arith.constant 15 : i32
      %parallel_loop3A_197 = arith.index_cast %parallel_loop3A_5 : i32 to index
      %parallel_loop3A_198 = arith.index_cast %parallel_loop3A_196 : i32 to index
      %parallel_loop3A_199 = arith.constant 0 : index
      %parallel_loop3A_200 = tpu.vector_load %arg7[%parallel_loop3A_197, %parallel_loop3A_198, %parallel_loop3A_199] {strides = array<i32>} : memref<50x16x32xf32, #tpu.memory_space<vmem>>, vector<16xf32>,
      tpu.vector_store %arg7[%parallel_loop3A_197, %parallel_loop3A_198, %parallel_loop3A_199], %parallel_loop3A_195 {strides = array<i32>} : memref<50x16x32xf32, #tpu.memory_space<vmem>>, vector<16xf32>,
      %parallel_loop3A_201 = arith.index_cast %parallel_loop3A_5 : i32 to index
      %parallel_loop3A_202 = arith.constant 16 : index
      %parallel_loop3A_203 = tpu.vector_load %arg6[%parallel_loop3A_201, %parallel_loop3A_202] {strides = array<i32>} : memref<50x32xi32, #tpu.memory_space<vmem>>, vector<16xi32>,
      %parallel_loop3A_204 = arith.constant 16 : i32
      %parallel_loop3A_205 = vector.broadcast %parallel_loop3A_204 : i32 to vector<16xi32>
      %parallel_loop3A_206 = arith.muli %parallel_loop3A_203, %parallel_loop3A_205 : vector<16xi32>
      %parallel_loop3A_207 = arith.constant 0 : i32
      %parallel_loop3A_208 = vector.broadcast %parallel_loop3A_207 : i32 to vector<16xi32>
      %parallel_loop3A_209 = arith.addi %parallel_loop3A_206, %parallel_loop3A_208 : vector<16xi32>
      %parallel_loop3A_210 = tpu.vector_load_idx %arg5[%parallel_loop3A_209] : memref<16000xf32, #tpu.memory_space<vmem>>[vector<16xi32>], vector<16xf32>,
      %parallel_loop3A_211 = arith.constant 0 : i32
      %parallel_loop3A_212 = arith.index_cast %parallel_loop3A_5 : i32 to index
      %parallel_loop3A_213 = arith.index_cast %parallel_loop3A_211 : i32 to index
      %parallel_loop3A_214 = arith.constant 16 : index
      %parallel_loop3A_215 = tpu.vector_load %arg7[%parallel_loop3A_212, %parallel_loop3A_213, %parallel_loop3A_214] {strides = array<i32>} : memref<50x16x32xf32, #tpu.memory_space<vmem>>, vector<16xf32>,
      tpu.vector_store %arg7[%parallel_loop3A_212, %parallel_loop3A_213, %parallel_loop3A_214], %parallel_loop3A_210 {strides = array<i32>} : memref<50x16x32xf32, #tpu.memory_space<vmem>>, vector<16xf32>,
      %parallel_loop3A_216 = arith.constant 16 : i32
      %parallel_loop3A_217 = vector.broadcast %parallel_loop3A_216 : i32 to vector<16xi32>
      %parallel_loop3A_218 = arith.muli %parallel_loop3A_203, %parallel_loop3A_217 : vector<16xi32>
      %parallel_loop3A_219 = arith.constant 1 : i32
      %parallel_loop3A_220 = vector.broadcast %parallel_loop3A_219 : i32 to vector<16xi32>
      %parallel_loop3A_221 = arith.addi %parallel_loop3A_218, %parallel_loop3A_220 : vector<16xi32>
      %parallel_loop3A_222 = tpu.vector_load_idx %arg5[%parallel_loop3A_221] : memref<16000xf32, #tpu.memory_space<vmem>>[vector<16xi32>], vector<16xf32>,
      %parallel_loop3A_223 = arith.constant 1 : i32
      %parallel_loop3A_224 = arith.index_cast %parallel_loop3A_5 : i32 to index
      %parallel_loop3A_225 = arith.index_cast %parallel_loop3A_223 : i32 to index
      %parallel_loop3A_226 = arith.constant 16 : index
      %parallel_loop3A_227 = tpu.vector_load %arg7[%parallel_loop3A_224, %parallel_loop3A_225, %parallel_loop3A_226] {strides = array<i32>} : memref<50x16x32xf32, #tpu.memory_space<vmem>>, vector<16xf32>,
      tpu.vector_store %arg7[%parallel_loop3A_224, %parallel_loop3A_225, %parallel_loop3A_226], %parallel_loop3A_222 {strides = array<i32>} : memref<50x16x32xf32, #tpu.memory_space<vmem>>, vector<16xf32>,
      %parallel_loop3A_228 = arith.constant 16 : i32
      %parallel_loop3A_229 = vector.broadcast %parallel_loop3A_228 : i32 to vector<16xi32>
      %parallel_loop3A_230 = arith.muli %parallel_loop3A_203, %parallel_loop3A_229 : vector<16xi32>
      %parallel_loop3A_231 = arith.constant 2 : i32
      %parallel_loop3A_232 = vector.broadcast %parallel_loop3A_231 : i32 to vector<16xi32>
      %parallel_loop3A_233 = arith.addi %parallel_loop3A_230, %parallel_loop3A_232 : vector<16xi32>
      %parallel_loop3A_234 = tpu.vector_load_idx %arg5[%parallel_loop3A_233] : memref<16000xf32, #tpu.memory_space<vmem>>[vector<16xi32>], vector<16xf32>,
      %parallel_loop3A_235 = arith.constant 2 : i32
      %parallel_loop3A_236 = arith.index_cast %parallel_loop3A_5 : i32 to index
      %parallel_loop3A_237 = arith.index_cast %parallel_loop3A_235 : i32 to index
      %parallel_loop3A_238 = arith.constant 16 : index
      %parallel_loop3A_239 = tpu.vector_load %arg7[%parallel_loop3A_236, %parallel_loop3A_237, %parallel_loop3A_238] {strides = array<i32>} : memref<50x16x32xf32, #tpu.memory_space<vmem>>, vector<16xf32>,
      tpu.vector_store %arg7[%parallel_loop3A_236, %parallel_loop3A_237, %parallel_loop3A_238], %parallel_loop3A_234 {strides = array<i32>} : memref<50x16x32xf32, #tpu.memory_space<vmem>>, vector<16xf32>,
      %parallel_loop3A_240 = arith.constant 16 : i32
      %parallel_loop3A_241 = vector.broadcast %parallel_loop3A_240 : i32 to vector<16xi32>
      %parallel_loop3A_242 = arith.muli %parallel_loop3A_203, %parallel_loop3A_241 : vector<16xi32>
      %parallel_loop3A_243 = arith.constant 3 : i32
      %parallel_loop3A_244 = vector.broadcast %parallel_loop3A_243 : i32 to vector<16xi32>
      %parallel_loop3A_245 = arith.addi %parallel_loop3A_242, %parallel_loop3A_244 : vector<16xi32>
      %parallel_loop3A_246 = tpu.vector_load_idx %arg5[%parallel_loop3A_245] : memref<16000xf32, #tpu.memory_space<vmem>>[vector<16xi32>], vector<16xf32>,
      %parallel_loop3A_247 = arith.constant 3 : i32
      %parallel_loop3A_248 = arith.index_cast %parallel_loop3A_5 : i32 to index
      %parallel_loop3A_249 = arith.index_cast %parallel_loop3A_247 : i32 to index
      %parallel_loop3A_250 = arith.constant 16 : index
      %parallel_loop3A_251 = tpu.vector_load %arg7[%parallel_loop3A_248, %parallel_loop3A_249, %parallel_loop3A_250] {strides = array<i32>} : memref<50x16x32xf32, #tpu.memory_space<vmem>>, vector<16xf32>,
      tpu.vector_store %arg7[%parallel_loop3A_248, %parallel_loop3A_249, %parallel_loop3A_250], %parallel_loop3A_246 {strides = array<i32>} : memref<50x16x32xf32, #tpu.memory_space<vmem>>, vector<16xf32>,
      %parallel_loop3A_252 = arith.constant 16 : i32
      %parallel_loop3A_253 = vector.broadcast %parallel_loop3A_252 : i32 to vector<16xi32>
      %parallel_loop3A_254 = arith.muli %parallel_loop3A_203, %parallel_loop3A_253 : vector<16xi32>
      %parallel_loop3A_255 = arith.constant 4 : i32
      %parallel_loop3A_256 = vector.broadcast %parallel_loop3A_255 : i32 to vector<16xi32>
      %parallel_loop3A_257 = arith.addi %parallel_loop3A_254, %parallel_loop3A_256 : vector<16xi32>
      %parallel_loop3A_258 = tpu.vector_load_idx %arg5[%parallel_loop3A_257] : memref<16000xf32, #tpu.memory_space<vmem>>[vector<16xi32>], vector<16xf32>,
      %parallel_loop3A_259 = arith.constant 4 : i32
      %parallel_loop3A_260 = arith.index_cast %parallel_loop3A_5 : i32 to index
      %parallel_loop3A_261 = arith.index_cast %parallel_loop3A_259 : i32 to index
      %parallel_loop3A_262 = arith.constant 16 : index
      %parallel_loop3A_263 = tpu.vector_load %arg7[%parallel_loop3A_260, %parallel_loop3A_261, %parallel_loop3A_262] {strides = array<i32>} : memref<50x16x32xf32, #tpu.memory_space<vmem>>, vector<16xf32>,
      tpu.vector_store %arg7[%parallel_loop3A_260, %parallel_loop3A_261, %parallel_loop3A_262], %parallel_loop3A_258 {strides = array<i32>} : memref<50x16x32xf32, #tpu.memory_space<vmem>>, vector<16xf32>,
      %parallel_loop3A_264 = arith.constant 16 : i32
      %parallel_loop3A_265 = vector.broadcast %parallel_loop3A_264 : i32 to vector<16xi32>
      %parallel_loop3A_266 = arith.muli %parallel_loop3A_203, %parallel_loop3A_265 : vector<16xi32>
      %parallel_loop3A_267 = arith.constant 5 : i32
      %parallel_loop3A_268 = vector.broadcast %parallel_loop3A_267 : i32 to vector<16xi32>
      %parallel_loop3A_269 = arith.addi %parallel_loop3A_266, %parallel_loop3A_268 : vector<16xi32>
      %parallel_loop3A_270 = tpu.vector_load_idx %arg5[%parallel_loop3A_269] : memref<16000xf32, #tpu.memory_space<vmem>>[vector<16xi32>], vector<16xf32>,
      %parallel_loop3A_271 = arith.constant 5 : i32
      %parallel_loop3A_272 = arith.index_cast %parallel_loop3A_5 : i32 to index
      %parallel_loop3A_273 = arith.index_cast %parallel_loop3A_271 : i32 to index
      %parallel_loop3A_274 = arith.constant 16 : index
      %parallel_loop3A_275 = tpu.vector_load %arg7[%parallel_loop3A_272, %parallel_loop3A_273, %parallel_loop3A_274] {strides = array<i32>} : memref<50x16x32xf32, #tpu.memory_space<vmem>>, vector<16xf32>,
      tpu.vector_store %arg7[%parallel_loop3A_272, %parallel_loop3A_273, %parallel_loop3A_274], %parallel_loop3A_270 {strides = array<i32>} : memref<50x16x32xf32, #tpu.memory_space<vmem>>, vector<16xf32>,
      %parallel_loop3A_276 = arith.constant 16 : i32
      %parallel_loop3A_277 = vector.broadcast %parallel_loop3A_276 : i32 to vector<16xi32>
      %parallel_loop3A_278 = arith.muli %parallel_loop3A_203, %parallel_loop3A_277 : vector<16xi32>
      %parallel_loop3A_279 = arith.constant 6 : i32
      %parallel_loop3A_280 = vector.broadcast %parallel_loop3A_279 : i32 to vector<16xi32>
      %parallel_loop3A_281 = arith.addi %parallel_loop3A_278, %parallel_loop3A_280 : vector<16xi32>
      %parallel_loop3A_282 = tpu.vector_load_idx %arg5[%parallel_loop3A_281] : memref<16000xf32, #tpu.memory_space<vmem>>[vector<16xi32>], vector<16xf32>,
      %parallel_loop3A_283 = arith.constant 6 : i32
      %parallel_loop3A_284 = arith.index_cast %parallel_loop3A_5 : i32 to index
      %parallel_loop3A_285 = arith.index_cast %parallel_loop3A_283 : i32 to index
      %parallel_loop3A_286 = arith.constant 16 : index
      %parallel_loop3A_287 = tpu.vector_load %arg7[%parallel_loop3A_284, %parallel_loop3A_285, %parallel_loop3A_286] {strides = array<i32>} : memref<50x16x32xf32, #tpu.memory_space<vmem>>, vector<16xf32>,
      tpu.vector_store %arg7[%parallel_loop3A_284, %parallel_loop3A_285, %parallel_loop3A_286], %parallel_loop3A_282 {strides = array<i32>} : memref<50x16x32xf32, #tpu.memory_space<vmem>>, vector<16xf32>,
      %parallel_loop3A_288 = arith.constant 16 : i32
      %parallel_loop3A_289 = vector.broadcast %parallel_loop3A_288 : i32 to vector<16xi32>
      %parallel_loop3A_290 = arith.muli %parallel_loop3A_203, %parallel_loop3A_289 : vector<16xi32>
      %parallel_loop3A_291 = arith.constant 7 : i32
      %parallel_loop3A_292 = vector.broadcast %parallel_loop3A_291 : i32 to vector<16xi32>
      %parallel_loop3A_293 = arith.addi %parallel_loop3A_290, %parallel_loop3A_292 : vector<16xi32>
      %parallel_loop3A_294 = tpu.vector_load_idx %arg5[%parallel_loop3A_293] : memref<16000xf32, #tpu.memory_space<vmem>>[vector<16xi32>], vector<16xf32>,
      %parallel_loop3A_295 = arith.constant 7 : i32
      %parallel_loop3A_296 = arith.index_cast %parallel_loop3A_5 : i32 to index
      %parallel_loop3A_297 = arith.index_cast %parallel_loop3A_295 : i32 to index
      %parallel_loop3A_298 = arith.constant 16 : index
      %parallel_loop3A_299 = tpu.vector_load %arg7[%parallel_loop3A_296, %parallel_loop3A_297, %parallel_loop3A_298] {strides = array<i32>} : memref<50x16x32xf32, #tpu.memory_space<vmem>>, vector<16xf32>,
      tpu.vector_store %arg7[%parallel_loop3A_296, %parallel_loop3A_297, %parallel_loop3A_298], %parallel_loop3A_294 {strides = array<i32>} : memref<50x16x32xf32, #tpu.memory_space<vmem>>, vector<16xf32>,
      %parallel_loop3A_300 = arith.constant 16 : i32
      %parallel_loop3A_301 = vector.broadcast %parallel_loop3A_300 : i32 to vector<16xi32>
      %parallel_loop3A_302 = arith.muli %parallel_loop3A_203, %parallel_loop3A_301 : vector<16xi32>
      %parallel_loop3A_303 = arith.constant 8 : i32
      %parallel_loop3A_304 = vector.broadcast %parallel_loop3A_303 : i32 to vector<16xi32>
      %parallel_loop3A_305 = arith.addi %parallel_loop3A_302, %parallel_loop3A_304 : vector<16xi32>
      %parallel_loop3A_306 = tpu.vector_load_idx %arg5[%parallel_loop3A_305] : memref<16000xf32, #tpu.memory_space<vmem>>[vector<16xi32>], vector<16xf32>,
      %parallel_loop3A_307 = arith.constant 8 : i32
      %parallel_loop3A_308 = arith.index_cast %parallel_loop3A_5 : i32 to index
      %parallel_loop3A_309 = arith.index_cast %parallel_loop3A_307 : i32 to index
      %parallel_loop3A_310 = arith.constant 16 : index
      %parallel_loop3A_311 = tpu.vector_load %arg7[%parallel_loop3A_308, %parallel_loop3A_309, %parallel_loop3A_310] {strides = array<i32>} : memref<50x16x32xf32, #tpu.memory_space<vmem>>, vector<16xf32>,
      tpu.vector_store %arg7[%parallel_loop3A_308, %parallel_loop3A_309, %parallel_loop3A_310], %parallel_loop3A_306 {strides = array<i32>} : memref<50x16x32xf32, #tpu.memory_space<vmem>>, vector<16xf32>,
      %parallel_loop3A_312 = arith.constant 16 : i32
      %parallel_loop3A_313 = vector.broadcast %parallel_loop3A_312 : i32 to vector<16xi32>
      %parallel_loop3A_314 = arith.muli %parallel_loop3A_203, %parallel_loop3A_313 : vector<16xi32>
      %parallel_loop3A_315 = arith.constant 9 : i32
      %parallel_loop3A_316 = vector.broadcast %parallel_loop3A_315 : i32 to vector<16xi32>
      %parallel_loop3A_317 = arith.addi %parallel_loop3A_314, %parallel_loop3A_316 : vector<16xi32>
      %parallel_loop3A_318 = tpu.vector_load_idx %arg5[%parallel_loop3A_317] : memref<16000xf32, #tpu.memory_space<vmem>>[vector<16xi32>], vector<16xf32>,
      %parallel_loop3A_319 = arith.constant 9 : i32
      %parallel_loop3A_320 = arith.index_cast %parallel_loop3A_5 : i32 to index
      %parallel_loop3A_321 = arith.index_cast %parallel_loop3A_319 : i32 to index
      %parallel_loop3A_322 = arith.constant 16 : index
      %parallel_loop3A_323 = tpu.vector_load %arg7[%parallel_loop3A_320, %parallel_loop3A_321, %parallel_loop3A_322] {strides = array<i32>} : memref<50x16x32xf32, #tpu.memory_space<vmem>>, vector<16xf32>,
      tpu.vector_store %arg7[%parallel_loop3A_320, %parallel_loop3A_321, %parallel_loop3A_322], %parallel_loop3A_318 {strides = array<i32>} : memref<50x16x32xf32, #tpu.memory_space<vmem>>, vector<16xf32>,
      %parallel_loop3A_324 = arith.constant 16 : i32
      %parallel_loop3A_325 = vector.broadcast %parallel_loop3A_324 : i32 to vector<16xi32>
      %parallel_loop3A_326 = arith.muli %parallel_loop3A_203, %parallel_loop3A_325 : vector<16xi32>
      %parallel_loop3A_327 = arith.constant 10 : i32
      %parallel_loop3A_328 = vector.broadcast %parallel_loop3A_327 : i32 to vector<16xi32>
      %parallel_loop3A_329 = arith.addi %parallel_loop3A_326, %parallel_loop3A_328 : vector<16xi32>
      %parallel_loop3A_330 = tpu.vector_load_idx %arg5[%parallel_loop3A_329] : memref<16000xf32, #tpu.memory_space<vmem>>[vector<16xi32>], vector<16xf32>,
      %parallel_loop3A_331 = arith.constant 10 : i32
      %parallel_loop3A_332 = arith.index_cast %parallel_loop3A_5 : i32 to index
      %parallel_loop3A_333 = arith.index_cast %parallel_loop3A_331 : i32 to index
      %parallel_loop3A_334 = arith.constant 16 : index
      %parallel_loop3A_335 = tpu.vector_load %arg7[%parallel_loop3A_332, %parallel_loop3A_333, %parallel_loop3A_334] {strides = array<i32>} : memref<50x16x32xf32, #tpu.memory_space<vmem>>, vector<16xf32>,
      tpu.vector_store %arg7[%parallel_loop3A_332, %parallel_loop3A_333, %parallel_loop3A_334], %parallel_loop3A_330 {strides = array<i32>} : memref<50x16x32xf32, #tpu.memory_space<vmem>>, vector<16xf32>,
      %parallel_loop3A_336 = arith.constant 16 : i32
      %parallel_loop3A_337 = vector.broadcast %parallel_loop3A_336 : i32 to vector<16xi32>
      %parallel_loop3A_338 = arith.muli %parallel_loop3A_203, %parallel_loop3A_337 : vector<16xi32>
      %parallel_loop3A_339 = arith.constant 11 : i32
      %parallel_loop3A_340 = vector.broadcast %parallel_loop3A_339 : i32 to vector<16xi32>
      %parallel_loop3A_341 = arith.addi %parallel_loop3A_338, %parallel_loop3A_340 : vector<16xi32>
      %parallel_loop3A_342 = tpu.vector_load_idx %arg5[%parallel_loop3A_341] : memref<16000xf32, #tpu.memory_space<vmem>>[vector<16xi32>], vector<16xf32>,
      %parallel_loop3A_343 = arith.constant 11 : i32
      %parallel_loop3A_344 = arith.index_cast %parallel_loop3A_5 : i32 to index
      %parallel_loop3A_345 = arith.index_cast %parallel_loop3A_343 : i32 to index
      %parallel_loop3A_346 = arith.constant 16 : index
      %parallel_loop3A_347 = tpu.vector_load %arg7[%parallel_loop3A_344, %parallel_loop3A_345, %parallel_loop3A_346] {strides = array<i32>} : memref<50x16x32xf32, #tpu.memory_space<vmem>>, vector<16xf32>,
      tpu.vector_store %arg7[%parallel_loop3A_344, %parallel_loop3A_345, %parallel_loop3A_346], %parallel_loop3A_342 {strides = array<i32>} : memref<50x16x32xf32, #tpu.memory_space<vmem>>, vector<16xf32>,
      %parallel_loop3A_348 = arith.constant 16 : i32
      %parallel_loop3A_349 = vector.broadcast %parallel_loop3A_348 : i32 to vector<16xi32>
      %parallel_loop3A_350 = arith.muli %parallel_loop3A_203, %parallel_loop3A_349 : vector<16xi32>
      %parallel_loop3A_351 = arith.constant 12 : i32
      %parallel_loop3A_352 = vector.broadcast %parallel_loop3A_351 : i32 to vector<16xi32>
      %parallel_loop3A_353 = arith.addi %parallel_loop3A_350, %parallel_loop3A_352 : vector<16xi32>
      %parallel_loop3A_354 = tpu.vector_load_idx %arg5[%parallel_loop3A_353] : memref<16000xf32, #tpu.memory_space<vmem>>[vector<16xi32>], vector<16xf32>,
      %parallel_loop3A_355 = arith.constant 12 : i32
      %parallel_loop3A_356 = arith.index_cast %parallel_loop3A_5 : i32 to index
      %parallel_loop3A_357 = arith.index_cast %parallel_loop3A_355 : i32 to index
      %parallel_loop3A_358 = arith.constant 16 : index
      %parallel_loop3A_359 = tpu.vector_load %arg7[%parallel_loop3A_356, %parallel_loop3A_357, %parallel_loop3A_358] {strides = array<i32>} : memref<50x16x32xf32, #tpu.memory_space<vmem>>, vector<16xf32>,
      tpu.vector_store %arg7[%parallel_loop3A_356, %parallel_loop3A_357, %parallel_loop3A_358], %parallel_loop3A_354 {strides = array<i32>} : memref<50x16x32xf32, #tpu.memory_space<vmem>>, vector<16xf32>,
      %parallel_loop3A_360 = arith.constant 16 : i32
      %parallel_loop3A_361 = vector.broadcast %parallel_loop3A_360 : i32 to vector<16xi32>
      %parallel_loop3A_362 = arith.muli %parallel_loop3A_203, %parallel_loop3A_361 : vector<16xi32>
      %parallel_loop3A_363 = arith.constant 13 : i32
      %parallel_loop3A_364 = vector.broadcast %parallel_loop3A_363 : i32 to vector<16xi32>
      %parallel_loop3A_365 = arith.addi %parallel_loop3A_362, %parallel_loop3A_364 : vector<16xi32>
      %parallel_loop3A_366 = tpu.vector_load_idx %arg5[%parallel_loop3A_365] : memref<16000xf32, #tpu.memory_space<vmem>>[vector<16xi32>], vector<16xf32>,
      %parallel_loop3A_367 = arith.constant 13 : i32
      %parallel_loop3A_368 = arith.index_cast %parallel_loop3A_5 : i32 to index
      %parallel_loop3A_369 = arith.index_cast %parallel_loop3A_367 : i32 to index
      %parallel_loop3A_370 = arith.constant 16 : index
      %parallel_loop3A_371 = tpu.vector_load %arg7[%parallel_loop3A_368, %parallel_loop3A_369, %parallel_loop3A_370] {strides = array<i32>} : memref<50x16x32xf32, #tpu.memory_space<vmem>>, vector<16xf32>,
      tpu.vector_store %arg7[%parallel_loop3A_368, %parallel_loop3A_369, %parallel_loop3A_370], %parallel_loop3A_366 {strides = array<i32>} : memref<50x16x32xf32, #tpu.memory_space<vmem>>, vector<16xf32>,
      %parallel_loop3A_372 = arith.constant 16 : i32
      %parallel_loop3A_373 = vector.broadcast %parallel_loop3A_372 : i32 to vector<16xi32>
      %parallel_loop3A_374 = arith.muli %parallel_loop3A_203, %parallel_loop3A_373 : vector<16xi32>
      %parallel_loop3A_375 = arith.constant 14 : i32
      %parallel_loop3A_376 = vector.broadcast %parallel_loop3A_375 : i32 to vector<16xi32>
      %parallel_loop3A_377 = arith.addi %parallel_loop3A_374, %parallel_loop3A_376 : vector<16xi32>
      %parallel_loop3A_378 = tpu.vector_load_idx %arg5[%parallel_loop3A_377] : memref<16000xf32, #tpu.memory_space<vmem>>[vector<16xi32>], vector<16xf32>,
      %parallel_loop3A_379 = arith.constant 14 : i32
      %parallel_loop3A_380 = arith.index_cast %parallel_loop3A_5 : i32 to index
      %parallel_loop3A_381 = arith.index_cast %parallel_loop3A_379 : i32 to index
      %parallel_loop3A_382 = arith.constant 16 : index
      %parallel_loop3A_383 = tpu.vector_load %arg7[%parallel_loop3A_380, %parallel_loop3A_381, %parallel_loop3A_382] {strides = array<i32>} : memref<50x16x32xf32, #tpu.memory_space<vmem>>, vector<16xf32>,
      tpu.vector_store %arg7[%parallel_loop3A_380, %parallel_loop3A_381, %parallel_loop3A_382], %parallel_loop3A_378 {strides = array<i32>} : memref<50x16x32xf32, #tpu.memory_space<vmem>>, vector<16xf32>,
      %parallel_loop3A_384 = arith.constant 16 : i32
      %parallel_loop3A_385 = vector.broadcast %parallel_loop3A_384 : i32 to vector<16xi32>
      %parallel_loop3A_386 = arith.muli %parallel_loop3A_203, %parallel_loop3A_385 : vector<16xi32>
      %parallel_loop3A_387 = arith.constant 15 : i32
      %parallel_loop3A_388 = vector.broadcast %parallel_loop3A_387 : i32 to vector<16xi32>
      %parallel_loop3A_389 = arith.addi %parallel_loop3A_386, %parallel_loop3A_388 : vector<16xi32>
      %parallel_loop3A_390 = tpu.vector_load_idx %arg5[%parallel_loop3A_389] : memref<16000xf32, #tpu.memory_space<vmem>>[vector<16xi32>], vector<16xf32>,
      %parallel_loop3A_391 = arith.constant 15 : i32
      %parallel_loop3A_392 = arith.index_cast %parallel_loop3A_5 : i32 to index
      %parallel_loop3A_393 = arith.index_cast %parallel_loop3A_391 : i32 to index
      %parallel_loop3A_394 = arith.constant 16 : index
      %parallel_loop3A_395 = tpu.vector_load %arg7[%parallel_loop3A_392, %parallel_loop3A_393, %parallel_loop3A_394] {strides = array<i32>} : memref<50x16x32xf32, #tpu.memory_space<vmem>>, vector<16xf32>,
      tpu.vector_store %arg7[%parallel_loop3A_392, %parallel_loop3A_393, %parallel_loop3A_394], %parallel_loop3A_390 {strides = array<i32>} : memref<50x16x32xf32, #tpu.memory_space<vmem>>, vector<16xf32>,
    } {sc.loop_unroll_factor = 2 : i64, sc.parallel_access}
    "tpu.region"() ({
      %run_scoped3A = tpu.sem_alloc : memref<!tpu.dma_semaphore, #tpu.memory_space<semaphore_mem>>
      %dma_start3A = arith.constant 0 : i32
      %dma_start3A_5 = arith.constant 0 : i32
      %dma_start3A_6 = tpu.memref_slice %arg4[%dma_start3A, %dma_start3A_5, %mul3A_2] : memref<50x16x1024xf32, #tpu.memory_space<hbm>> -> memref<50x16x32xf32, #tpu.memory_space<hbm>>
      %dma_start3A_7 = arith.constant 0 : i32
      %dma_start3A_8 = arith.constant 0 : i32
      %dma_start3A_9 = tpu.memref_slice %arg4[%dma_start3A_7, %dma_start3A_8, %mul3A_2] : memref<50x16x1024xf32, #tpu.memory_space<hbm>> -> memref<50x16x32xf32, #tpu.memory_space<hbm>>
      tpu.enqueue_dma source(%arg7 : memref<50x16x32xf32, #tpu.memory_space<vmem>>) target(%dma_start3A_9 : memref<50x16x32xf32, #tpu.memory_space<hbm>>) target_semaphore(%run_scoped3A : memref<!tpu.dma_semaphore, #tpu.memory_space<semaphore_mem>>)
      %dma_wait3A = arith.constant 0 : i32
      %dma_wait3A_10 = arith.constant 0 : i32
      %dma_wait3A_11 = tpu.memref_slice %arg4[%dma_wait3A, %dma_wait3A_10, %mul3A_2] : memref<50x16x1024xf32, #tpu.memory_space<hbm>> -> memref<50x16x32xf32, #tpu.memory_space<hbm>>
      %dma_wait3A_12 = arith.constant 0 : i32
      %dma_wait3A_13 = arith.constant 0 : i32
      %dma_wait3A_14 = tpu.memref_slice %arg4[%dma_wait3A_12, %dma_wait3A_13, %mul3A_2] : memref<50x16x1024xf32, #tpu.memory_space<hbm>> -> memref<50x16x32xf32, #tpu.memory_space<hbm>>
      tpu.wait_dma2 semaphore(%run_scoped3A : memref<!tpu.dma_semaphore, #tpu.memory_space<semaphore_mem>>) src(%arg7 : memref<50x16x32xf32, #tpu.memory_space<vmem>>) dst(%dma_wait3A_14 : memref<50x16x32xf32, #tpu.memory_space<hbm>>)
      tpu.yield
    }) : () -> ()
    return
  }
}

module attributes {stable_mosaic.version = 14 : i64} {
  func.func @body(%arg0: i32, %arg1: memref<2x16x1024xf32, #tpu.memory_space<vmem>>, %arg2: memref<16x1000xf32, #tpu.memory_space<vmem>>, %arg3: memref<1000x1xf32, #tpu.memory_space<vmem>>, %arg4: memref<2x1000x1024xf32, #tpu.memory_space<vmem>>) attributes {dimension_semantics = [#tpu.dimension_semantics<parallel>], iteration_bounds = array<i64: 25>, scalar_prefetch = 0 : i64, scratch_operands = 0 : i64, tpu.core_type = #tpu.core_type<tc>, window_params = [{transform_indices = @transform_0, window_bounds = array<i64: 2, 16, 1024>}, {pipeline_mode = #tpu.pipeline_mode<synchronous>, transform_indices = @transform_1, window_bounds = array<i64: 16, 1000>}, {pipeline_mode = #tpu.pipeline_mode<synchronous>, transform_indices = @transform_2, window_bounds = array<i64: 1000, 1>}, {transform_indices = @transform_3, window_bounds = array<i64: 2, 1000, 1024>}]} {
    %get3A = arith.constant 0 : index
    %get3A_0 = arith.constant 0 : index
    %get3A_1 = vector.load %arg2[%get3A, %get3A_0] : memref<16x1000xf32, #tpu.memory_space<vmem>>, vector<16x1000xf32>
    %get3A_2 = arith.constant 0 : index
    %get3A_3 = arith.constant 0 : index
    %get3A_4 = arith.constant 0 : index
    %get3A_5 = vector.load %arg1[%get3A_2, %get3A_3, %get3A_4] : memref<2x16x1024xf32, #tpu.memory_space<vmem>>, vector<1x16x1024xf32>
    %get3A_6 = vector.shape_cast %get3A_5 : vector<1x16x1024xf32> to vector<16x1024xf32>
    %dot_general3A = arith.constant dense<0.000000e+00> : vector<1000x1024xf32>
    %dot_general3A_7 = tpu.matmul %get3A_1, %get3A_6, %dot_general3A {dimension_numbers = #tpu.dot_dimension_numbers<[0], [0], [1], [1], [0, 1, 1, 1], [], []>, transpose_lhs_hint = true} : vector<16x1000xf32>, vector<16x1024xf32>, vector<1000x1024xf32> -> vector<1000x1024xf32>
    %get3A_8 = arith.constant 0 : index
    %get3A_9 = arith.constant 0 : index
    %get3A_10 = vector.load %arg3[%get3A_8, %get3A_9] : memref<1000x1xf32, #tpu.memory_space<vmem>>, vector<1000x1xf32>
    %add3A = vector.broadcast %get3A_10 : vector<1000x1xf32> to vector<1000x1024xf32>
    %add3A_11 = arith.addf %dot_general3A_7, %add3A : vector<1000x1024xf32>
    %swap3A = arith.constant 0 : index
    %swap3A_12 = arith.constant 0 : index
    %swap3A_13 = arith.constant 0 : index
    %swap3A_14 = vector.load %arg4[%swap3A, %swap3A_12, %swap3A_13] : memref<2x1000x1024xf32, #tpu.memory_space<vmem>>, vector<1x1000x1024xf32>
    %swap3A_15 = vector.shape_cast %swap3A_14 : vector<1x1000x1024xf32> to vector<1000x1024xf32>
    %swap3A_16 = vector.shape_cast %add3A_11 : vector<1000x1024xf32> to vector<1x1000x1024xf32>
    tpu.vector_store %arg4[%swap3A, %swap3A_12, %swap3A_13], %swap3A_16 {strides = array<i32>} : memref<2x1000x1024xf32, #tpu.memory_space<vmem>>, vector<1x1000x1024xf32>,
    %get3A_17 = arith.constant 0 : index
    %get3A_18 = arith.constant 0 : index
    %get3A_19 = vector.load %arg2[%get3A_17, %get3A_18] : memref<16x1000xf32, #tpu.memory_space<vmem>>, vector<16x1000xf32>
    %get3A_20 = arith.constant 1 : index
    %get3A_21 = arith.constant 0 : index
    %get3A_22 = arith.constant 0 : index
    %get3A_23 = vector.load %arg1[%get3A_20, %get3A_21, %get3A_22] : memref<2x16x1024xf32, #tpu.memory_space<vmem>>, vector<1x16x1024xf32>
    %get3A_24 = vector.shape_cast %get3A_23 : vector<1x16x1024xf32> to vector<16x1024xf32>
    %dot_general3A_25 = arith.constant dense<0.000000e+00> : vector<1000x1024xf32>
    %dot_general3A_26 = tpu.matmul %get3A_19, %get3A_24, %dot_general3A_25 {dimension_numbers = #tpu.dot_dimension_numbers<[0], [0], [1], [1], [0, 1, 1, 1], [], []>, transpose_lhs_hint = true} : vector<16x1000xf32>, vector<16x1024xf32>, vector<1000x1024xf32> -> vector<1000x1024xf32>
    %get3A_27 = arith.constant 0 : index
    %get3A_28 = arith.constant 0 : index
    %get3A_29 = vector.load %arg3[%get3A_27, %get3A_28] : memref<1000x1xf32, #tpu.memory_space<vmem>>, vector<1000x1xf32>
    %add3A_30 = vector.broadcast %get3A_29 : vector<1000x1xf32> to vector<1000x1024xf32>
    %add3A_31 = arith.addf %dot_general3A_26, %add3A_30 : vector<1000x1024xf32>
    %swap3A_32 = arith.constant 1 : index
    %swap3A_33 = arith.constant 0 : index
    %swap3A_34 = arith.constant 0 : index
    %swap3A_35 = vector.load %arg4[%swap3A_32, %swap3A_33, %swap3A_34] : memref<2x1000x1024xf32, #tpu.memory_space<vmem>>, vector<1x1000x1024xf32>
    %swap3A_36 = vector.shape_cast %swap3A_35 : vector<1x1000x1024xf32> to vector<1000x1024xf32>
    %swap3A_37 = vector.shape_cast %add3A_31 : vector<1000x1024xf32> to vector<1x1000x1024xf32>
    tpu.vector_store %arg4[%swap3A_32, %swap3A_33, %swap3A_34], %swap3A_37 {strides = array<i32>} : memref<2x1000x1024xf32, #tpu.memory_space<vmem>>, vector<1x1000x1024xf32>,
    return
  }
  func.func @transform_0(%arg0: i32) -> (i32, i32, i32) {
    %c0_i32 = arith.constant 0 : i32
    %c0_i32_0 = arith.constant 0 : i32
    %c0_i32_1 = arith.constant 0 : i32
    return %arg0, %c0_i32, %c0_i32_0 : i32, i32, i32
  }
  func.func @transform_1(%arg0: i32) -> (i32, i32) {
    %c0_i32 = arith.constant 0 : i32
    %c0_i32_0 = arith.constant 0 : i32
    %c0_i32_1 = arith.constant 0 : i32
    return %c0_i32, %c0_i32_0 : i32, i32
  }
  func.func @transform_2(%arg0: i32) -> (i32, i32) {
    %c0_i32 = arith.constant 0 : i32
    %c0_i32_0 = arith.constant 0 : i32
    %c0_i32_1 = arith.constant 0 : i32
    return %c0_i32, %c0_i32_0 : i32, i32
  }
  func.func @transform_3(%arg0: i32) -> (i32, i32, i32) {
    %c0_i32 = arith.constant 0 : i32
    %c0_i32_0 = arith.constant 0 : i32
    %c0_i32_1 = arith.constant 0 : i32
    return %arg0, %c0_i32, %c0_i32_0 : i32, i32, i32
  }
}

</mosaic_0001>

<sc_bundles>
// kernel: kernel.4.cloned.1.call-start
scs
__scs_entry_jumppad:
0x0: {  	(pc) =	sbr.rel $0x88, $3  }
0x1: {  	(tag) =	ssettag $0x0;
	lr =	simm.s32 $0x1  }
0x2: {  	[smem:$0x3F9D] =	sst lr;
	_ =	strace $0xD0000000  }
0x3: {  	_ = 	snop  }
0x4: {  	_ = 	snop  }
0x5: {  	_ = 	snop  }
0x6: {  	_ = 	snop  }
0x7: {  	_ = 	snop  }
__scs_overlays_trampoline_lowered:
0x8: {  	[smem:$0x3FAC] =	sst s0  }
0x9: {  	[smem:$0x3FAD] =	sst s1  }
0xa: {  	[smem:$0x3FAE] =	sst s2  }
0xb: {  	[smem:$0x3FAF] =	sst s3  }
0xc: {  	[smem:$0x3FB0] =	sst s4  }
0xd: {  	[smem:$0x3FB1] =	sst s5  }
0xe: {  	[smem:$0x3FB2] =	sst s6  }
0xf: {  	[smem:$0x3FB3] =	sst s7  }
0x10: {  	[smem:$0x3FB4] =	sst s8  }
0x11: {  	[smem:$0x3FB5] =	sst s9;
	s0 =	simm.s32 @!p0 $0x0  }
0x12: {  	s1 =	sld [smem:$0x3F9B];
	s0 =	simm.s32 @p0 $0x1  }
0x13: {  	[smem:$0x3FB6] =	sst s0;
	s0 =	simm.s32 @!p1 $0x0  }
0x14: {  	s2 =	sld [smem:$0x3F9A];
	s0 =	simm.s32 @p1 $0x1  }
0x15: {  	[smem:$0x3FB7] =	sst s0;
	s0 =	simm.s32 @!p2 $0x0  }
0x16: {  	s3 =	sld [smem:$0x3FDB];
	s0 =	simm.s32 @p2 $0x1  }
0x17: {  	s4 =	simm.s32 $0x1BF5;
	[smem:$0x3FB9] =	sst s0  }
0x18: {  	s0 =	sld [smem:$0x3F9C];
	_ =	swait.ge [sflag:s4], $0x0  }
0x19: {  	s7 =	sld [smem:$0x3F9D]  }
0x1a: {  	s8 =	sadd.s32 $0xFFFFE003, lr  }
0x1b: {  	s9 =	sadd.s32 $0xFFFFFEF7, lr;
	s5 =	simm.s32 $0xFFFFFFFF;
	p2 =	slt.u32 s8, $0xFFFFF086  }
0x1c: {  	p1 =	slt.u32 s9, $0xF7A;
	s5 =	simm.s32 @!p2 $0x0  }
0x1d: {  	s5 =	simm.s32 @p1 $0x1;
	p0 =	seq.s32 s7, s2  }
0x1e: {  	s7 =	smul.u32 @!p0 $0xF7A, s2;
	p2 =	seq.s32 @!p0 s5, $0x0  }
0x1f: {  	s9 =	smul.u32 $0xF7A, s1;
	s8 =	simm.s32 @!p0 $0x1BF5;
	p2 =	por !p2, p0  }
0x20: {  	[sflag:s8] =	ssyncset.s32 @!p0 $0xFFFFF086;
	s6 =	sadd.s32 @!p0 s3, s7;
	s7 =	simm.s32 @!p0 $0x108  }
0x21: {  	s3 =	sadd.s32 s3, s9;
	s6 =	sadd.s32 @!p0 $0x88, s6;
	s7 =	simm.s32 @p2 $0x1082  }
0x22: {  	[simem:s7], [sflag:s8] =	dma.local @!p0 [hbm:s6], $0xF7A  }
0x23: {  	s9 =	sor.u32 $0xD0000000, s2;
	s6 =	simm.s32 $0x108;
	_ =	swait.ge @!p0 [sflag:s8], $0x0  }
0x24: {  	s3 =	sadd.s32 $0x88, s3;
	s6 =	simm.s32 @!p1 $0x1082;
	[sflag:s4] =	ssyncset.s32 $0xFFFFF086  }
0x25: {  	[simem:s6], [sflag:s4] =	dma.local [hbm:s3], $0xF7A  }
0x26: {  	[smem:$0x3F9D] =	sst s1;
	(tag) =	ssettag s2;
	_ =	strace s9  }
0x27: {  	s1 =	sld [smem:$0x3FAD]  }
0x28: {  	s2 =	sld [smem:$0x3FAE]  }
0x29: {  	s4 =	sld [smem:$0x3FB0]  }
0x2a: {  	p0 =	seq.s32 s5, $0x0;
	s5 =	sld [smem:$0x3FB1]  }
0x2b: {  	s6 =	sld [smem:$0x3FB2]  }
0x2c: {  	s7 =	sld [smem:$0x3FB3]  }
0x2d: {  	s3 =	simm.s32 $0x108;
	s8 =	sld [smem:$0x3FB4]  }
0x2e: {  	s3 =	simm.s32 @!p0 $0x1082;
	s9 =	sld [smem:$0x3FB5]  }
0x2f: {  	lr =	sadd.s32 s0, s3;
	s0 =	sld [smem:$0x3FAC]  }
0x30: {  	s3 =	sld [smem:$0x3FAF]  }
0x31: {  	[smem:$0x3FB8] =	sst s10  }
0x32: {  	s10 =	sld [smem:$0x3FB6];
	_ =	sdelay $0x3  }
0x33: {  	p0 =	seq.s32 s10, $0x1;
	s10 =	sld [smem:$0x3FB8];
	_ =	sdelay $0x3  }
0x34: {  	[smem:$0x3FB8] =	sst s10  }
0x35: {  	s10 =	sld [smem:$0x3FB7];
	_ =	sdelay $0x3  }
0x36: {  	p1 =	seq.s32 s10, $0x1;
	s10 =	sld [smem:$0x3FB8];
	_ =	sdelay $0x3  }
0x37: {  	[smem:$0x3FB8] =	sst s10  }
0x38: {  	s10 =	sld [smem:$0x3FB9]  }
0x39: {  	_ = 	snop;
	(pc) =	sbr.ind lr, $3  }
0x3a: {  	_ = 	snop  }
0x3b: {  	_ = 	snop  }
0x3c: {  	p2 =	seq.s32 s10, $0x1;
	s10 =	sld [smem:$0x3FB8]  }
0x3d: {  	_ =	shalt  }
0x3e: {  	_ =	shalt  }
0x3f: {  	_ =	shalt  }
0x40: {  	_ =	shalt  }
0x41: {  	_ =	shalt  }
0x42: {  	_ =	shalt  }
0x43: {  	_ =	shalt  }
0x44: {  	_ =	shalt  }
0x45: {  	_ =	shalt  }
0x46: {  	_ =	shalt  }
0x47: {  	_ =	shalt  }
0x48: {  	_ =	shalt  }
0x49: {  	_ =	shalt  }
0x4a: {  	_ =	shalt  }
0x4b: {  	_ =	shalt  }
0x4c: {  	_ =	shalt  }
0x4d: {  	_ =	shalt  }
0x4e: {  	_ =	shalt  }
0x4f: {  	_ =	shalt  }
0x50: {  	_ =	shalt  }
0x51: {  	_ =	shalt  }
0x52: {  	_ =	shalt  }
0x53: {  	_ =	shalt  }
0x54: {  	_ =	shalt  }
0x55: {  	_ =	shalt  }
0x56: {  	_ =	shalt  }
0x57: {  	_ =	shalt  }
0x58: {  	_ =	shalt  }
0x59: {  	_ =	shalt  }
0x5a: {  	_ =	shalt  }
0x5b: {  	_ =	shalt  }
0x5c: {  	_ =	shalt  }
0x5d: {  	_ =	shalt  }
0x5e: {  	_ =	shalt  }
0x5f: {  	_ =	shalt  }
0x60: {  	_ =	shalt  }
0x61: {  	_ =	shalt  }
0x62: {  	_ =	shalt  }
0x63: {  	_ =	shalt  }
0x64: {  	_ =	shalt  }
0x65: {  	_ =	shalt  }
0x66: {  	_ =	shalt  }
0x67: {  	_ =	shalt  }
0x68: {  	_ =	shalt  }
0x69: {  	_ =	shalt  }
0x6a: {  	_ =	shalt  }
0x6b: {  	_ =	shalt  }
0x6c: {  	_ =	shalt  }
0x6d: {  	_ =	shalt  }
0x6e: {  	_ =	shalt  }
0x6f: {  	_ =	shalt  }
0x70: {  	_ =	shalt  }
0x71: {  	_ =	shalt  }
0x72: {  	_ =	shalt  }
0x73: {  	_ =	shalt  }
0x74: {  	_ =	shalt  }
0x75: {  	_ =	shalt  }
0x76: {  	_ =	shalt  }
0x77: {  	_ =	shalt  }
0x78: {  	_ =	shalt  }
0x79: {  	_ =	shalt  }
0x7a: {  	_ =	shalt  }
0x7b: {  	_ =	shalt  }
0x7c: {  	_ =	shalt  }
0x7d: {  	_ =	shalt  }
0x7e: {  	_ =	shalt  }
0x7f: {  	_ =	shalt  }
0x80: {  	_ =	shalt  }
0x81: {  	_ =	shalt  }
0x82: {  	_ =	shalt  }
0x83: {  	_ =	shalt  }
0x84: {  	_ =	shalt  }
0x85: {  	_ =	shalt  }
0x86: {  	_ =	shalt  }
0x87: {  	_ =	shalt  }
.Lfunc_end0:
.L_simem_size_0:
called_computation_lowered:
.L_overlay_start_0:
0x88: {  	s2 =	sld [smem:$0x3FD9]  }
0x89: {  	s3 =	sld [smem:$0x3FFE];
	_ =	sdelay $0x1  }
0x8a: {  	s1 =	srdreg.scid  }
0x8b: {  	s0 =	sand.u32 $0x1, s1  }
0x8c: {  	s17 =	sshll.u32 s0, $0xA;
	s2 =	sadd.s32 s3, s2  }
0x8d: {  	s2 =	sadd.s32 s2, s17  }
0x8e: {  	[smem:$0x3FC4] =	sst s2  }
0x8f: {  	_ = 	snop  }
0x90: {  	s2 =	sld [smem:$0x3FD0];
	(tm) =	ssettm $0x1  }
0x91: {  	s18 =	sld [smem:$0x3FFB];
	_ =	sdelay $0x3  }
0x92: {  	_ =	strace s18  }
0x93: {  	s3 =	sld [smem:$0x3FFC];
	_ =	sdelay $0x3  }
0x94: {  	_ =	strace s3  }
0x95: {  	s3 =	sld [smem:$0x3FFD];
	_ =	sdelay $0x3  }
0x96: {  	_ =	strace s3  }
0x97: {  	_ =	strace $0x8FFFFFFF  }
0x98: {  	s19 =	sld [smem:$0x3FDB];
	_ =	sdelay $0x1  }
0x99: {  	s4 =	simm.s32 $_scs_section_size  }
0x9a: {  	s5 =	simm.s32 $_size__tile_overlayer_lowered;
	s6 =	simm.s32 $_tile_overlayer_lowered  }
0x9b: {  	s22 =	simm.s32 $0x1BFF;
	s21 =	sshll.u32 s6, $0x1;
	s3 =	sadd.s32 s4, s19  }
0x9c: {  	s7 =	simm.s32 $0x0;
	s20 =	sshll.u32 s5, $0x1;
	s5 =	sadd.s32 s21, s3  }
0x9d: {  	[timem:s7], [sflag:s22] =	dma.local [hbm:s5], s20  }
0x9e: {  	_ =	swait.ge [sflag:s22], s20  }
0x9f: {  	s4 =	ssub.s32 $0x0, s20;
	[sflag:s22] =	ssyncset.done $0x0  }
0xa0: {  	[sflag:s22] =	ssyncadd.s32 s4;
	_ =	sdelay $0x1  }
0xa1: {  	s23 =	simm.s32 $0x1B8B  }
0xa2: {  	_ =	swait.ge [sflag:s23], $0x1  }
0xa3: {  	[sflag:s23] =	ssyncset.done $0x0  }
0xa4: {  	s25 =	simm.s32 $0x1B8E;
	s24 =	sld [smem:$0x3FFE];
	[sflag:s23] =	ssyncadd.s32 $0xFFFFFFFF  }
0xa5: {  	s26 =	simm.s32 $execute0_lowered;
	[smem:$0x3FD2] =	sst s25  }
0xa6: {  	s5 =	sshll.u32 s26, $0x1;
	_ =	strace $0x80000046;
	[dreg:$0x1] =	wrdreg $0xFFFFFFFF  }
0xa7: {  	s28 =	simm.s32 $_size_execute0_lowered;
	s3 =	sadd.s32 s3, s5;
	[dreg:$0x0] =	wrdreg $0x0  }
0xa8: {  	s5 =	sshll.u32 s28, $0x1;
	[dreg:$0x2] =	wrdreg s3  }
0xa9: {  	[dreg:$0x3] =	wrdreg s5  }
0xaa: {  	[dreg:$0x4] =	wrdreg $0xC0  }
0xab: {  	_ =	task [dreg:s7], $0x5FFFF  }
0xac: {  	[dreg:$0x1] =	wrdreg $0xFFFFFFFF  }
0xad: {  	[dreg:$0x0] =	wrdreg $0x60  }
0xae: {  	[dreg:$0x2] =	wrdreg s24  }
0xaf: {  	[dreg:$0x3] =	wrdreg s2  }
0xb0: {  	[dreg:$0x4] =	wrdreg $0x9  }
0xb1: {  	_ =	task.clear_ibuf [dreg:s7], $0x5FFFF;
	_ =	strace $0x90000046  }
0xb2: {  	s29 =	simm.s32 $0x9;
	_ =	strace $0x80000048  }
0xb3: {  	_ =	swait.ge [sflag:s29], $0x1  }
0xb4: {  	[sflag:s29] =	ssyncadd.s32 $0xFFFFFFFF  }
0xb5: {  	_ =	strace $0x90000048  }
0xb6: {  	_ =	sfence  }
0xb7: {  	s30 =	sld [smem:$0x0];
	_ =	sdelay $0x2  }
0xb8: {  	s31 =	sshll.u32 s1, $0xD;
	s1 =	sshrl.u32 s1, $0x2  }
0xb9: {  	s3 =	sand.u32 $0x4000, s31;
	s1 =	sadd.s32 s1, s30  }
0xba: {  	s0 =	sor.u32 s3, s0;
	s1 =	sshll.u32 s1, $0x11  }
0xbb: {  	s0 =	sor.u32 s1, s0  }
0xbc: {  	s0 =	sadd.s32 $0x8F2B, s0  }
0xbd: {  	[sflag:s0] =	ssyncadd.remote.s32 $0x1  }
0xbe: {  	_ =	sfence.sel $0xFFFF  }
0xbf: {  	[dreg:$0x0] =	wrdreg $0xFFFFFFFF;
	(pc) =	sbr.abs _section_cstart, $3  }
0xc0: {  	[dreg:$0x1] =	wrdreg $0xFFFFFFFF  }
0xc1: {  	_ =	task.clear_ibuf [dreg:s7], $0x2FFFF;
	_ =	strace $0x9FFFFFFF  }
0xc2: {  	(tm) =	ssettm $0x7FFFFFFF  }
0xc3: {  	_ =	shalt  }
tec
execute0_lowered:
.L_overlay_start_1:
0x0: {  	(tag) =	ssettag $0x1  }
0x1: {  	s4 =	rddreg [dreg:$0x0]  }
0x2: {  	s5 =	rddreg [dreg:$0x1]  }
0x3: {  	s0 =	rddreg [dreg:$0x2];
	s2 =	simm.s32 $0x0;
	s3 =	srdreg.scid  }
0x4: {  	s1 =	stileid.u32;
	s9 =	simm.s32 $0x400;
	s10 =	simm.s32 $0x3E80  }
0x5: {  	s11 =	simm.s32 $0x44C0;
	s12 =	simm.s32 $0x0;
	s3 =	sand.u32 $0x1, s3  }
0x6: {  	[smem:$0x7FF] =	sst s2;
	s6 =	sshll.u32 s1, $0x3;
	s7 =	sshll.u32 s3, $0x2  }
0x7: {  	s8 =	ssub.s32 $0x2, s3;
	_ =	strace $0x80000047;
	s6 =	sor.u32 s7, s6  }
0x8: {  	s3 =	sadd.s32 $0x2200, s4;
	s31 =	sshrl.u32 s8, $0x1;
	s4 =	sadd.s32 s6, s4  }
0x9: {  	s7 =	ssub.s32 s8, s31;
	s5 =	sadd.s32 s5, s6;
	s8 =	simm.s32 $0x20  }
0xa: {  	s4 =	sadd.s32 $0x800, s4;
	s6 =	smax.u32 s7, $0x1;
	s7 =	simm.s32 $0x1  }
.LBB2_1:
0xb: {  	[tilespmem:s2], [sflag:$0x1] =	stream.linear.gather [hbm4b:s3+s2], $0x3E80, $0x38;
	[tilespmem:$0xA8C0] =	vst v63  }
0xc: {  	_ =	swait.ge [sflag:s7], $0x3E80  }
0xd: {  	[sflag:s7] =	ssyncset.done $0x0  }
0xe: {  	[sflag:s7] =	ssyncadd.s32 $0xFFFFC180  }
0xf: {  	[tilespmem:s10], [sflag:$0x1] =	stream.strided.gather [hbm4b:s4+s8], $0x640, s9, s8, $0x38;
	[tilespmem:$0xA8C0] =	vst v63  }
0x10: {  	_ =	swait.ge [sflag:s7], $0x640  }
0x11: {  	[sflag:s7] =	ssyncset.done $0x0  }
0x12: {  	s15 =	simm.s32 $0x3EA0;
	[sflag:s7] =	ssyncadd.s32 $0xFFFFF9C0  }
0x13: {  	v0 =	vld [tilespmem:s15+$0x0];
	_ =	sdelay $0x4  }
0x14: {  	v0 =	vshll.u32 v0, $0x4;
	_ =	sdelay $0x2  }
0x15: {  	v1 =	vld [tilespmem:s15+$0xFFFFFFE0];
	_ =	sdelay $0x1  }
0x16: {  	v2 =	vld.idx.msk [tilespmem:v0+s2+$0x0], $0xffff  }
0x17: {  	v3 =	vor.u32 $0x1, v0;
	_ =	sdelay $0x1  }
0x18: {  	v1 =	vshll.u32 v1, $0x4  }
0x19: {  	s14 =	simm.s32 $0x46C0  }
0x1a: {  	[tilespmem:s14+$0x0] =	vst v2  }
0x1b: {  	v2 =	vld.idx.msk [tilespmem:v3+s2+$0x0], $0xffff  }
0x1c: {  	v3 =	vor.u32 $0x2, v0  }
0x1d: {  	v4 =	vld.idx.msk [tilespmem:v1+s2+$0x0], $0xffff  }
0x1e: {  	v5 =	vor.u32 $0x1, v1;
	_ =	sdelay $0x1  }
0x1f: {  	[tilespmem:s14+$0x20] =	vst v2  }
0x20: {  	v2 =	vld.idx.msk [tilespmem:v3+s2+$0x0], $0xffff  }
0x21: {  	[tilespmem:s14+$0xFFFFFE00] =	vst v4;
	v3 =	vor.u32 $0x3, v0  }
0x22: {  	v4 =	vld.idx.msk [tilespmem:v5+s2+$0x0], $0xffff  }
0x23: {  	v5 =	vor.u32 $0x2, v1;
	_ =	sdelay $0x1  }
0x24: {  	[tilespmem:s14+$0x40] =	vst v2  }
0x25: {  	v2 =	vld.idx.msk [tilespmem:v3+s2+$0x0], $0xffff  }
0x26: {  	[tilespmem:s14+$0xFFFFFE20] =	vst v4;
	v3 =	vor.u32 $0x4, v0  }
0x27: {  	v4 =	vld.idx.msk [tilespmem:v5+s2+$0x0], $0xffff  }
0x28: {  	v5 =	vor.u32 $0x3, v1;
	_ =	sdelay $0x1  }
0x29: {  	[tilespmem:s14+$0x60] =	vst v2  }
0x2a: {  	v2 =	vld.idx.msk [tilespmem:v3+s2+$0x0], $0xffff  }
0x2b: {  	[tilespmem:s14+$0xFFFFFE40] =	vst v4;
	v3 =	vor.u32 $0x5, v0  }
0x2c: {  	v4 =	vld.idx.msk [tilespmem:v5+s2+$0x0], $0xffff  }
0x2d: {  	v5 =	vor.u32 $0x4, v1;
	_ =	sdelay $0x1  }
0x2e: {  	[tilespmem:s14+$0x80] =	vst v2  }
0x2f: {  	v2 =	vld.idx.msk [tilespmem:v3+s2+$0x0], $0xffff  }
0x30: {  	[tilespmem:s14+$0xFFFFFE60] =	vst v4;
	v3 =	vor.u32 $0x6, v0  }
0x31: {  	v4 =	vld.idx.msk [tilespmem:v5+s2+$0x0], $0xffff  }
0x32: {  	v5 =	vor.u32 $0x5, v1;
	_ =	sdelay $0x1  }
0x33: {  	[tilespmem:s14+$0xA0] =	vst v2  }
0x34: {  	v2 =	vld.idx.msk [tilespmem:v3+s2+$0x0], $0xffff  }
0x35: {  	[tilespmem:s14+$0xFFFFFE80] =	vst v4;
	v3 =	vor.u32 $0x7, v0  }
0x36: {  	v4 =	vld.idx.msk [tilespmem:v5+s2+$0x0], $0xffff  }
0x37: {  	v5 =	vor.u32 $0x6, v1;
	_ =	sdelay $0x1  }
0x38: {  	[tilespmem:s14+$0xC0] =	vst v2  }
0x39: {  	v2 =	vld.idx.msk [tilespmem:v3+s2+$0x0], $0xffff  }
0x3a: {  	[tilespmem:s14+$0xFFFFFEA0] =	vst v4;
	v3 =	vor.u32 $0x8, v0  }
0x3b: {  	v4 =	vld.idx.msk [tilespmem:v5+s2+$0x0], $0xffff  }
0x3c: {  	v5 =	vor.u32 $0x7, v1;
	_ =	sdelay $0x1  }
0x3d: {  	[tilespmem:s14+$0xE0] =	vst v2  }
0x3e: {  	s16 =	simm.s32 $0x3EE0;
	v2 =	vld.idx.msk [tilespmem:v3+s2+$0x0], $0xffff  }
0x3f: {  	[tilespmem:s14+$0xFFFFFEC0] =	vst v4;
	v3 =	vld [tilespmem:s16+$0x0]  }
0x40: {  	v4 =	vor.u32 $0x9, v0;
	v5 =	vld.idx.msk [tilespmem:v5+s2+$0x0], $0xffff  }
0x41: {  	v6 =	vor.u32 $0x8, v1;
	_ =	sdelay $0x1  }
0x42: {  	v7 =	vld [tilespmem:s16+$0xFFFFFFE0]  }
0x43: {  	[tilespmem:s14+$0x100] =	vst v2;
	v3 =	vshll.u32 v3, $0x4  }
0x44: {  	[tilespmem:s14+$0xFFFFFEE0] =	vst v5;
	v4 =	vld.idx.msk [tilespmem:v4+s2+$0x0], $0xffff  }
0x45: {  	v5 =	vor.u32 $0xA, v0;
	v6 =	vld.idx.msk [tilespmem:v6+s2+$0x0], $0xffff  }
0x46: {  	v8 =	vor.u32 $0x9, v1  }
0x47: {  	v2 =	vshll.u32 v7, $0x4  }
0x48: {  	v7 =	vld.idx.msk [tilespmem:v3+s2+$0x0], $0xffff  }
0x49: {  	[tilespmem:s14+$0x120] =	vst v4;
	v4 =	vor.u32 $0x1, v3  }
0x4a: {  	[tilespmem:s14+$0xFFFFFF00] =	vst v6;
	v5 =	vld.idx.msk [tilespmem:v5+s2+$0x0], $0xffff  }
0x4b: {  	v6 =	vor.u32 $0xB, v0;
	v8 =	vld.idx.msk [tilespmem:v8+s2+$0x0], $0xffff  }
0x4c: {  	s13 =	simm.s32 $0x4AC0;
	v9 =	vor.u32 $0xA, v1;
	v10 =	vld.idx.msk [tilespmem:v2+s2+$0x0], $0xffff  }
0x4d: {  	v11 =	vor.u32 $0x1, v2;
	[tilespmem:s13+$0x0] =	vst v7  }
0x4e: {  	v4 =	vld.idx.msk [tilespmem:v4+s2+$0x0], $0xffff  }
0x4f: {  	[tilespmem:s14+$0x140] =	vst v5;
	v5 =	vor.u32 $0x2, v3  }
0x50: {  	[tilespmem:s14+$0xFFFFFF20] =	vst v8;
	v6 =	vld.idx.msk [tilespmem:v6+s2+$0x0], $0xffff  }
0x51: {  	v8 =	vld.idx.msk [tilespmem:v9+s2+$0x0], $0xffff;
	v7 =	vor.u32 $0xC, v0;
	[tilespmem:s13+$0xFFFFFE00] =	vst v10  }
0x52: {  	v9 =	vor.u32 $0xB, v1;
	v10 =	vld.idx.msk [tilespmem:v11+s2+$0x0], $0xffff  }
0x53: {  	v11 =	vor.u32 $0x2, v2;
	[tilespmem:s13+$0x20] =	vst v4  }
0x54: {  	v4 =	vld.idx.msk [tilespmem:v5+s2+$0x0], $0xffff  }
0x55: {  	v5 =	vor.u32 $0x3, v3;
	[tilespmem:s14+$0x160] =	vst v6  }
0x56: {  	[tilespmem:s14+$0xFFFFFF40] =	vst v8;
	v6 =	vld.idx.msk [tilespmem:v7+s2+$0x0], $0xffff  }
0x57: {  	v8 =	vld.idx.msk [tilespmem:v9+s2+$0x0], $0xffff;
	[tilespmem:s13+$0xFFFFFE20] =	vst v10;
	v7 =	vor.u32 $0xD, v0  }
0x58: {  	v9 =	vor.u32 $0xC, v1;
	v10 =	vld.idx.msk [tilespmem:v11+s2+$0x0], $0xffff  }
0x59: {  	v11 =	vor.u32 $0x3, v2;
	[tilespmem:s13+$0x40] =	vst v4  }
0x5a: {  	v4 =	vld.idx.msk [tilespmem:v5+s2+$0x0], $0xffff  }
0x5b: {  	v5 =	vor.u32 $0x4, v3;
	[tilespmem:s14+$0x180] =	vst v6  }
0x5c: {  	[tilespmem:s14+$0xFFFFFF60] =	vst v8;
	v6 =	vld.idx.msk [tilespmem:v7+s2+$0x0], $0xffff  }
0x5d: {  	v8 =	vld.idx.msk [tilespmem:v9+s2+$0x0], $0xffff;
	[tilespmem:s13+$0xFFFFFE40] =	vst v10;
	v7 =	vor.u32 $0xE, v0  }
0x5e: {  	v9 =	vor.u32 $0xD, v1;
	v10 =	vld.idx.msk [tilespmem:v11+s2+$0x0], $0xffff  }
0x5f: {  	v11 =	vor.u32 $0x4, v2;
	[tilespmem:s13+$0x60] =	vst v4  }
0x60: {  	v4 =	vld.idx.msk [tilespmem:v5+s2+$0x0], $0xffff  }
0x61: {  	v5 =	vor.u32 $0x5, v3;
	[tilespmem:s14+$0x1A0] =	vst v6  }
0x62: {  	[tilespmem:s14+$0xFFFFFF80] =	vst v8;
	v6 =	vld.idx.msk [tilespmem:v7+s2+$0x0], $0xffff  }
0x63: {  	v0 =	vor.u32 $0xF, v0;
	[tilespmem:s13+$0xFFFFFE60] =	vst v10;
	v7 =	vld.idx.msk [tilespmem:v9+s2+$0x0], $0xffff  }
0x64: {  	v8 =	vor.u32 $0xE, v1;
	v9 =	vld.idx.msk [tilespmem:v11+s2+$0x0], $0xffff  }
0x65: {  	v10 =	vor.u32 $0x5, v2;
	[tilespmem:s13+$0x80] =	vst v4  }
0x66: {  	v4 =	vld.idx.msk [tilespmem:v5+s2+$0x0], $0xffff  }
0x67: {  	v5 =	vor.u32 $0x6, v3;
	[tilespmem:s14+$0x1C0] =	vst v6  }
0x68: {  	[tilespmem:s14+$0xFFFFFFA0] =	vst v7;
	v0 =	vld.idx.msk [tilespmem:v0+s2+$0x0], $0xffff  }
0x69: {  	[tilespmem:s13+$0xFFFFFE80] =	vst v9;
	v6 =	vld.idx.msk [tilespmem:v8+s2+$0x0], $0xffff  }
0x6a: {  	v1 =	vor.u32 $0xF, v1;
	v7 =	vld.idx.msk [tilespmem:v10+s2+$0x0], $0xffff  }
0x6b: {  	v8 =	vor.u32 $0x6, v2;
	[tilespmem:s13+$0xA0] =	vst v4  }
0x6c: {  	v4 =	vld.idx.msk [tilespmem:v5+s2+$0x0], $0xffff  }
0x6d: {  	[tilespmem:s14+$0x1E0] =	vst v0;
	v0 =	vor.u32 $0x7, v3  }
0x6e: {  	[tilespmem:s14+$0xFFFFFFC0] =	vst v6;
	v5 =	vld [tilespmem:s15+$0x10]  }
0x6f: {  	[tilespmem:s13+$0xFFFFFEA0] =	vst v7;
	v1 =	vld.idx.msk [tilespmem:v1+s2+$0x0], $0xffff  }
0x70: {  	v6 =	vld.idx.msk [tilespmem:v8+s2+$0x0], $0xffff  }
0x71: {  	v8 =	vor.u32 $0x7, v2;
	[tilespmem:s13+$0xC0] =	vst v4  }
0x72: {  	v0 =	vld.idx.msk [tilespmem:v0+s2+$0x0], $0xffff  }
0x73: {  	v4 =	vor.u32 $0x8, v3  }
0x74: {  	v7 =	vshll.u32 v5, $0x4;
	[tilespmem:s14+$0xFFFFFFE0] =	vst v1  }
0x75: {  	[tilespmem:s13+$0xFFFFFEC0] =	vst v6;
	v1 =	vld [tilespmem:s15+$0xFFFFFFF0]  }
0x76: {  	s17 =	simm.s32 $0x3F20;
	v5 =	vld.idx.msk [tilespmem:v8+s2+$0x0], $0xffff  }
0x77: {  	v6 =	vor.u32 $0x8, v2;
	v8 =	vld [tilespmem:s17+$0x0];
	[tilespmem:s13+$0xE0] =	vst v0  }
0x78: {  	v4 =	vld.idx.msk [tilespmem:v4+s2+$0x0], $0xffff  }
0x79: {  	v9 =	vor.u32 $0x9, v3;
	v0 =	vld.idx.msk [tilespmem:v7+s2+$0x0], $0xffff  }
0x7a: {  	v10 =	vor.u32 $0x1, v7  }
0x7b: {  	v11 =	vld [tilespmem:s17+$0xFFFFFFE0];
	[tilespmem:s13+$0xFFFFFEE0] =	vst v5  }
0x7c: {  	v1 =	vshll.u32 v1, $0x4;
	v6 =	vld.idx.msk [tilespmem:v6+s2+$0x0], $0xffff  }
0x7d: {  	v12 =	vor.u32 $0x9, v2;
	[tilespmem:s13+$0x100] =	vst v4  }
0x7e: {  	v5 =	vshll.u32 v8, $0x4;
	[tilespmem:s14+$0x10] =	vst v0;
	v4 =	vld.idx.msk [tilespmem:v9+s2+$0x0], $0xffff  }
0x7f: {  	v8 =	vld.idx.msk [tilespmem:v10+s2+$0x0], $0xffff;
	v9 =	vor.u32 $0xA, v3  }
0x80: {  	v10 =	vor.u32 $0x2, v7  }
0x81: {  	v0 =	vshll.u32 v11, $0x4;
	v13 =	vld.idx.msk [tilespmem:v1+s2+$0x0], $0xffff;
	[tilespmem:s13+$0xFFFFFF00] =	vst v6  }
0x82: {  	v6 =	vor.u32 $0x1, v1;
	v11 =	vld.idx.msk [tilespmem:v12+s2+$0x0], $0xffff  }
0x83: {  	v14 =	vld.idx.msk [tilespmem:v5+s2+$0x0], $0xffff;
	v12 =	vor.u32 $0xA, v2;
	[tilespmem:s13+$0x120] =	vst v4  }
0x84: {  	[tilespmem:s14+$0x30] =	vst v8;
	v4 =	vor.u32 $0x1, v5;
	v8 =	vld.idx.msk [tilespmem:v9+s2+$0x0], $0xffff  }
0x85: {  	v9 =	vld.idx.msk [tilespmem:v10+s2+$0x0], $0xffff;
	v10 =	vor.u32 $0xB, v3  }
0x86: {  	v15 =	vld.idx.msk [tilespmem:v0+s2+$0x0], $0xffff;
	[tilespmem:s14+$0xFFFFFE10] =	vst v13;
	v13 =	vor.u32 $0x3, v7  }
0x87: {  	s15 =	simm.s32 $0x4EC0;
	v16 =	vor.u32 $0x1, v0;
	v6 =	vld.idx.msk [tilespmem:v6+s2+$0x0], $0xffff;
	[tilespmem:s13+$0xFFFFFF20] =	vst v11  }
0x88: {  	[tilespmem:s15+$0x0] =	vst v14;
	v11 =	vor.u32 $0x2, v1;
	v12 =	vld.idx.msk [tilespmem:v12+s2+$0x0], $0xffff  }
0x89: {  	v14 =	vor.u32 $0xB, v2;
	v4 =	vld.idx.msk [tilespmem:v4+s2+$0x0], $0xffff;
	[tilespmem:s13+$0x140] =	vst v8  }
0x8a: {  	[tilespmem:s14+$0x50] =	vst v9;
	v8 =	vor.u32 $0x2, v5;
	v9 =	vld.idx.msk [tilespmem:v10+s2+$0x0], $0xffff  }
0x8b: {  	[tilespmem:s15+$0xFFFFFE00] =	vst v15;
	v10 =	vld.idx.msk [tilespmem:v13+s2+$0x0], $0xffff;
	v13 =	vor.u32 $0xC, v3  }
0x8c: {  	v15 =	vor.u32 $0x4, v7;
	v16 =	vld.idx.msk [tilespmem:v16+s2+$0x0], $0xffff;
	[tilespmem:s14+$0xFFFFFE30] =	vst v6  }
0x8d: {  	v6 =	vor.u32 $0x2, v0;
	v11 =	vld.idx.msk [tilespmem:v11+s2+$0x0], $0xffff;
	[tilespmem:s13+$0xFFFFFF40] =	vst v12  }
0x8e: {  	v12 =	vor.u32 $0x3, v1;
	[tilespmem:s15+$0x20] =	vst v4;
	v4 =	vld.idx.msk [tilespmem:v14+s2+$0x0], $0xffff  }
0x8f: {  	v14 =	vor.u32 $0xC, v2;
	v8 =	vld.idx.msk [tilespmem:v8+s2+$0x0], $0xffff;
	[tilespmem:s13+$0x160] =	vst v9  }
0x90: {  	[tilespmem:s14+$0x70] =	vst v10;
	v9 =	vor.u32 $0x3, v5;
	v10 =	vld.idx.msk [tilespmem:v13+s2+$0x0], $0xffff  }
0x91: {  	[tilespmem:s15+$0xFFFFFE20] =	vst v16;
	v13 =	vld.idx.msk [tilespmem:v15+s2+$0x0], $0xffff;
	v15 =	vor.u32 $0xD, v3  }
0x92: {  	v16 =	vor.u32 $0x5, v7;
	v6 =	vld.idx.msk [tilespmem:v6+s2+$0x0], $0xffff;
	[tilespmem:s14+$0xFFFFFE50] =	vst v11  }
0x93: {  	v11 =	vor.u32 $0x3, v0;
	[tilespmem:s13+$0xFFFFFF60] =	vst v4;
	v4 =	vld.idx.msk [tilespmem:v12+s2+$0x0], $0xffff  }
0x94: {  	v12 =	vor.u32 $0x4, v1;
	[tilespmem:s15+$0x40] =	vst v8;
	v8 =	vld.idx.msk [tilespmem:v14+s2+$0x0], $0xffff  }
0x95: {  	v14 =	vor.u32 $0xD, v2;
	v9 =	vld.idx.msk [tilespmem:v9+s2+$0x0], $0xffff;
	[tilespmem:s13+$0x180] =	vst v10  }
0x96: {  	[tilespmem:s14+$0x90] =	vst v13;
	v10 =	vor.u32 $0x4, v5;
	v13 =	vld.idx.msk [tilespmem:v15+s2+$0x0], $0xffff  }
0x97: {  	[tilespmem:s15+$0xFFFFFE40] =	vst v6;
	v6 =	vor.u32 $0xE, v3;
	v15 =	vld.idx.msk [tilespmem:v16+s2+$0x0], $0xffff  }
0x98: {  	v11 =	vld.idx.msk [tilespmem:v11+s2+$0x0], $0xffff;
	v16 =	vor.u32 $0x6, v7;
	[tilespmem:s14+$0xFFFFFE70] =	vst v4  }
0x99: {  	v4 =	vor.u32 $0x4, v0;
	[tilespmem:s13+$0xFFFFFF80] =	vst v8;
	v8 =	vld.idx.msk [tilespmem:v12+s2+$0x0], $0xffff  }
0x9a: {  	v12 =	vor.u32 $0x5, v1;
	[tilespmem:s15+$0x60] =	vst v9;
	v9 =	vld.idx.msk [tilespmem:v14+s2+$0x0], $0xffff  }
0x9b: {  	v14 =	vor.u32 $0xE, v2;
	v10 =	vld.idx.msk [tilespmem:v10+s2+$0x0], $0xffff;
	[tilespmem:s13+$0x1A0] =	vst v13  }
0x9c: {  	[tilespmem:s14+$0xB0] =	vst v15;
	v13 =	vor.u32 $0x5, v5;
	v6 =	vld.idx.msk [tilespmem:v6+s2+$0x0], $0xffff  }
0x9d: {  	v3 =	vor.u32 $0xF, v3;
	[tilespmem:s15+$0xFFFFFE60] =	vst v11;
	v15 =	vld.idx.msk [tilespmem:v16+s2+$0x0], $0xffff  }
0x9e: {  	v11 =	vor.u32 $0x7, v7;
	v4 =	vld.idx.msk [tilespmem:v4+s2+$0x0], $0xffff;
	[tilespmem:s14+$0xFFFFFE90] =	vst v8  }
0x9f: {  	v8 =	vor.u32 $0x5, v0;
	[tilespmem:s13+$0xFFFFFFA0] =	vst v9;
	v9 =	vld.idx.msk [tilespmem:v12+s2+$0x0], $0xffff  }
0xa0: {  	v12 =	vor.u32 $0x6, v1;
	[tilespmem:s15+$0x80] =	vst v10;
	v10 =	vld.idx.msk [tilespmem:v14+s2+$0x0], $0xffff  }
0xa1: {  	v2 =	vor.u32 $0xF, v2;
	v13 =	vld.idx.msk [tilespmem:v13+s2+$0x0], $0xffff;
	[tilespmem:s13+$0x1C0] =	vst v6  }
0xa2: {  	[tilespmem:s14+$0xD0] =	vst v15;
	v6 =	vor.u32 $0x6, v5;
	v3 =	vld.idx.msk [tilespmem:v3+s2+$0x0], $0xffff  }
0xa3: {  	[tilespmem:s15+$0xFFFFFE80] =	vst v4;
	v11 =	vld.idx.msk [tilespmem:v11+s2+$0x0], $0xffff  }
0xa4: {  	v4 =	vor.u32 $0x8, v7;
	v8 =	vld.idx.msk [tilespmem:v8+s2+$0x0], $0xffff;
	[tilespmem:s14+$0xFFFFFEB0] =	vst v9  }
0xa5: {  	v9 =	vor.u32 $0x6, v0;
	[tilespmem:s13+$0xFFFFFFC0] =	vst v10;
	v10 =	vld.idx.msk [tilespmem:v12+s2+$0x0], $0xffff  }
0xa6: {  	v12 =	vor.u32 $0x7, v1;
	[tilespmem:s15+$0xA0] =	vst v13;
	v2 =	vld.idx.msk [tilespmem:v2+s2+$0x0], $0xffff  }
0xa7: {  	v6 =	vld.idx.msk [tilespmem:v6+s2+$0x0], $0xffff;
	[tilespmem:s13+$0x1E0] =	vst v3  }
0xa8: {  	[tilespmem:s14+$0xF0] =	vst v11;
	v3 =	vor.u32 $0x7, v5;
	v11 =	vld [tilespmem:s16+$0x10]  }
0xa9: {  	[tilespmem:s15+$0xFFFFFEA0] =	vst v8;
	v4 =	vld.idx.msk [tilespmem:v4+s2+$0x0], $0xffff  }
0xaa: {  	v8 =	vor.u32 $0x9, v7;
	v9 =	vld.idx.msk [tilespmem:v9+s2+$0x0], $0xffff;
	[tilespmem:s14+$0xFFFFFED0] =	vst v10  }
0xab: {  	v10 =	vor.u32 $0x7, v0;
	v12 =	vld.idx.msk [tilespmem:v12+s2+$0x0], $0xffff  }
0xac: {  	v13 =	vor.u32 $0x8, v1;
	[tilespmem:s15+$0xC0] =	vst v6  }
0xad: {  	[tilespmem:s13+$0xFFFFFFE0] =	vst v2;
	v2 =	vld.idx.msk [tilespmem:v3+s2+$0x0], $0xffff;
	v6 =	vshll.u32 v11, $0x4  }
0xae: {  	v3 =	vld [tilespmem:s16+$0xFFFFFFF0];
	[tilespmem:s14+$0x110] =	vst v4;
	v4 =	vor.u32 $0x8, v5  }
0xaf: {  	[tilespmem:s15+$0xFFFFFEC0] =	vst v9;
	v8 =	vld.idx.msk [tilespmem:v8+s2+$0x0], $0xffff  }
0xb0: {  	v10 =	vld.idx.msk [tilespmem:v10+s2+$0x0], $0xffff;
	[tilespmem:s14+$0xFFFFFEF0] =	vst v12  }
0xb1: {  	v9 =	vor.u32 $0xA, v7;
	v11 =	vld.idx.msk [tilespmem:v13+s2+$0x0], $0xffff  }
0xb2: {  	v12 =	vor.u32 $0x8, v0;
	[tilespmem:s15+$0xE0] =	vst v2;
	v13 =	vld.idx.msk [tilespmem:v6+s2+$0x0], $0xffff  }
0xb3: {  	s19 =	simm.s32 $0x3F60;
	v2 =	vshll.u32 v3, $0x4;
	v3 =	vld.idx.msk [tilespmem:v4+s2+$0x0], $0xffff  }
0xb4: {  	v4 =	vor.u32 $0x1, v6;
	[tilespmem:s14+$0x130] =	vst v8;
	v8 =	vld [tilespmem:s19+$0x0]  }
0xb5: {  	v14 =	vor.u32 $0x9, v5;
	v15 =	vld [tilespmem:s19+$0xFFFFFFE0]  }
0xb6: {  	v16 =	vor.u32 $0x9, v1;
	[tilespmem:s15+$0xFFFFFEE0] =	vst v10;
	v9 =	vld.idx.msk [tilespmem:v9+s2+$0x0], $0xffff  }
0xb7: {  	v10 =	vor.u32 $0xB, v7;
	v12 =	vld.idx.msk [tilespmem:v12+s2+$0x0], $0xffff  }
0xb8: {  	v17 =	vor.u32 $0x9, v0;
	v18 =	vld.idx.msk [tilespmem:v2+s2+$0x0], $0xffff;
	[tilespmem:s13+$0x10] =	vst v13  }
0xb9: {  	[tilespmem:s15+$0x100] =	vst v3;
	v13 =	vld.idx.msk [tilespmem:v4+s2+$0x0], $0xffff;
	v3 =	vshll.u32 v8, $0x4  }
0xba: {  	[tilespmem:s14+$0xFFFFFF10] =	vst v11;
	v8 =	vld.idx.msk [tilespmem:v14+s2+$0x0], $0xffff;
	v4 =	vshll.u32 v15, $0x4  }
0xbb: {  	v14 =	vld.idx.msk [tilespmem:v16+s2+$0x0], $0xffff;
	[tilespmem:s14+$0x150] =	vst v9;
	v9 =	vor.u32 $0x2, v6  }
0xbc: {  	v11 =	vor.u32 $0xA, v5;
	[tilespmem:s15+$0xFFFFFF00] =	vst v12;
	v10 =	vld.idx.msk [tilespmem:v10+s2+$0x0], $0xffff  }
0xbd: {  	v16 =	vor.u32 $0x1, v2;
	v15 =	vld.idx.msk [tilespmem:v17+s2+$0x0], $0xffff  }
0xbe: {  	v12 =	vor.u32 $0xC, v7;
	[tilespmem:s13+$0xFFFFFE10] =	vst v18;
	v17 =	vld.idx.msk [tilespmem:v3+s2+$0x0], $0xffff  }
0xbf: {  	[tilespmem:s13+$0x30] =	vst v13;
	v13 =	vor.u32 $0xA, v0;
	v18 =	vld.idx.msk [tilespmem:v4+s2+$0x0], $0xffff  }
0xc0: {  	[tilespmem:s15+$0x120] =	vst v8;
	v8 =	vld.idx.msk [tilespmem:v9+s2+$0x0], $0xffff;
	v9 =	vor.u32 $0x1, v3  }
0xc1: {  	v20 =	vor.u32 $0x1, v4;
	v11 =	vld.idx.msk [tilespmem:v11+s2+$0x0], $0xffff;
	[tilespmem:s14+$0x170] =	vst v10  }
0xc2: {  	v10 =	vor.u32 $0x3, v6;
	[tilespmem:s15+$0xFFFFFF20] =	vst v15;
	v15 =	vld.idx.msk [tilespmem:v16+s2+$0x0], $0xffff  }
0xc3: {  	v19 =	vor.u32 $0xB, v5;
	s16 =	simm.s32 $0x52C0;
	v12 =	vld.idx.msk [tilespmem:v12+s2+$0x0], $0xffff  }
0xc4: {  	v16 =	vor.u32 $0xD, v7;
	[tilespmem:s16+$0x0] =	vst v17;
	v13 =	vld.idx.msk [tilespmem:v13+s2+$0x0], $0xffff  }
0xc5: {  	v17 =	vor.u32 $0x2, v2;
	[tilespmem:s16+$0xFFFFFE00] =	vst v18;
	v9 =	vld.idx.msk [tilespmem:v9+s2+$0x0], $0xffff  }
0xc6: {  	[tilespmem:s13+$0x50] =	vst v8;
	v8 =	vor.u32 $0xB, v0;
	v18 =	vld.idx.msk [tilespmem:v20+s2+$0x0], $0xffff  }
0xc7: {  	[tilespmem:s15+$0x140] =	vst v11;
	v11 =	vor.u32 $0x2, v3;
	v10 =	vld.idx.msk [tilespmem:v10+s2+$0x0], $0xffff  }
0xc8: {  	v19 =	vld.idx.msk [tilespmem:v19+s2+$0x0], $0xffff;
	[tilespmem:s14+$0x190] =	vst v12;
	v12 =	vor.u32 $0x4, v6  }
0xc9: {  	v20 =	vor.u32 $0xC, v5;
	[tilespmem:s13+$0xFFFFFE30] =	vst v15;
	v16 =	vld.idx.msk [tilespmem:v16+s2+$0x0], $0xffff  }
0xca: {  	v15 =	vor.u32 $0xE, v7;
	[tilespmem:s15+$0xFFFFFF40] =	vst v13;
	v13 =	vld.idx.msk [tilespmem:v17+s2+$0x0], $0xffff  }
0xcb: {  	v17 =	vor.u32 $0x2, v4;
	[tilespmem:s16+$0x20] =	vst v9;
	v8 =	vld.idx.msk [tilespmem:v8+s2+$0x0], $0xffff  }
0xcc: {  	v9 =	vor.u32 $0x3, v2;
	v11 =	vld.idx.msk [tilespmem:v11+s2+$0x0], $0xffff;
	[tilespmem:s13+$0x70] =	vst v10  }
0xcd: {  	v10 =	vor.u32 $0xC, v0;
	[tilespmem:s15+$0x160] =	vst v19;
	v12 =	vld.idx.msk [tilespmem:v12+s2+$0x0], $0xffff  }
0xce: {  	v19 =	vor.u32 $0x3, v3;
	v20 =	vld.idx.msk [tilespmem:v20+s2+$0x0], $0xffff;
	[tilespmem:s14+$0x1B0] =	vst v16  }
0xcf: {  	[tilespmem:s16+$0xFFFFFE20] =	vst v18;
	v16 =	vor.u32 $0x5, v6;
	v15 =	vld.idx.msk [tilespmem:v15+s2+$0x0], $0xffff  }
0xd0: {  	v18 =	vor.u32 $0xD, v5;
	v17 =	vld.idx.msk [tilespmem:v17+s2+$0x0], $0xffff;
	[tilespmem:s13+$0xFFFFFE50] =	vst v13  }
0xd1: {  	v7 =	vor.u32 $0xF, v7;
	[tilespmem:s15+$0xFFFFFF60] =	vst v8;
	v8 =	vld.idx.msk [tilespmem:v9+s2+$0x0], $0xffff  }
0xd2: {  	v9 =	vor.u32 $0x3, v4;
	[tilespmem:s16+$0x40] =	vst v11;
	v10 =	vld.idx.msk [tilespmem:v10+s2+$0x0], $0xffff  }
0xd3: {  	v11 =	vor.u32 $0x4, v2;
	v13 =	vld.idx.msk [tilespmem:v19+s2+$0x0], $0xffff;
	[tilespmem:s13+$0x90] =	vst v12  }
0xd4: {  	v12 =	vor.u32 $0xD, v0;
	[tilespmem:s15+$0x180] =	vst v20;
	v16 =	vld.idx.msk [tilespmem:v16+s2+$0x0], $0xffff  }
0xd5: {  	v19 =	vor.u32 $0x4, v3;
	v18 =	vld.idx.msk [tilespmem:v18+s2+$0x0], $0xffff;
	[tilespmem:s14+$0x1D0] =	vst v15  }
0xd6: {  	[tilespmem:s16+$0xFFFFFE40] =	vst v17;
	v15 =	vor.u32 $0x6, v6;
	v7 =	vld.idx.msk [tilespmem:v7+s2+$0x0], $0xffff  }
0xd7: {  	v17 =	vor.u32 $0xA, v1;
	v9 =	vld.idx.msk [tilespmem:v9+s2+$0x0], $0xffff;
	[tilespmem:s13+$0xFFFFFE70] =	vst v8  }
0xd8: {  	v8 =	vor.u32 $0xE, v5;
	[tilespmem:s15+$0xFFFFFF80] =	vst v10;
	v10 =	vld.idx.msk [tilespmem:v11+s2+$0x0], $0xffff  }
0xd9: {  	v11 =	vor.u32 $0x4, v4;
	[tilespmem:s16+$0x60] =	vst v13;
	v12 =	vld.idx.msk [tilespmem:v12+s2+$0x0], $0xffff  }
0xda: {  	v13 =	vor.u32 $0x5, v2;
	v19 =	vld.idx.msk [tilespmem:v19+s2+$0x0], $0xffff;
	[tilespmem:s13+$0xB0] =	vst v16  }
0xdb: {  	[tilespmem:s14+$0xFFFFFF30] =	vst v14;
	v16 =	vor.u32 $0xE, v0;
	v14 =	vld.idx.msk [tilespmem:v15+s2+$0x0], $0xffff  }
0xdc: {  	[tilespmem:s15+$0x1A0] =	vst v18;
	v15 =	vor.u32 $0x5, v3;
	v17 =	vld.idx.msk [tilespmem:v17+s2+$0x0], $0xffff  }
0xdd: {  	[tilespmem:s16+$0xFFFFFE60] =	vst v9;
	v8 =	vld.idx.msk [tilespmem:v8+s2+$0x0], $0xffff;
	v9 =	vor.u32 $0x7, v6  }
0xde: {  	v18 =	vor.u32 $0xB, v1;
	v11 =	vld.idx.msk [tilespmem:v11+s2+$0x0], $0xffff;
	[tilespmem:s13+$0xFFFFFE90] =	vst v10  }
0xdf: {  	[tilespmem:s15+$0xFFFFFFA0] =	vst v12;
	v10 =	vld.idx.msk [tilespmem:v13+s2+$0x0], $0xffff  }
0xe0: {  	v5 =	vor.u32 $0xF, v5;
	[tilespmem:s16+$0x80] =	vst v19;
	v13 =	vld.idx.msk [tilespmem:v16+s2+$0x0], $0xffff  }
0xe1: {  	v12 =	vor.u32 $0x5, v4;
	v15 =	vld.idx.msk [tilespmem:v15+s2+$0x0], $0xffff;
	[tilespmem:s13+$0xD0] =	vst v14  }
0xe2: {  	v16 =	vor.u32 $0x6, v2;
	[tilespmem:s14+$0xFFFFFF50] =	vst v17;
	v9 =	vld.idx.msk [tilespmem:v9+s2+$0x0], $0xffff  }
0xe3: {  	s18 =	simm.s32 $0x3FA0;
	v0 =	vor.u32 $0xF, v0;
	[tilespmem:s15+$0x1C0] =	vst v8;
	v8 =	vld.idx.msk [tilespmem:v18+s2+$0x0], $0xffff  }
0xe4: {  	v14 =	vor.u32 $0x6, v3;
	v18 =	vld [tilespmem:s18+$0xFFFFFFE0]  }
0xe5: {  	[tilespmem:s16+$0xFFFFFE80] =	vst v11;
	v5 =	vld.idx.msk [tilespmem:v5+s2+$0x0], $0xffff;
	v11 =	vor.u32 $0x8, v6  }
0xe6: {  	v12 =	vld.idx.msk [tilespmem:v12+s2+$0x0], $0xffff;
	[tilespmem:s13+$0xFFFFFEB0] =	vst v10  }
0xe7: {  	v10 =	vor.u32 $0xC, v1;
	[tilespmem:s15+$0xFFFFFFC0] =	vst v13;
	v13 =	vld.idx.msk [tilespmem:v16+s2+$0x0], $0xffff  }
0xe8: {  	v16 =	vor.u32 $0x6, v4;
	[tilespmem:s16+$0xA0] =	vst v15;
	v0 =	vld.idx.msk [tilespmem:v0+s2+$0x0], $0xffff  }
0xe9: {  	v15 =	vor.u32 $0x7, v2;
	v14 =	vld.idx.msk [tilespmem:v14+s2+$0x0], $0xffff;
	[tilespmem:s13+$0xF0] =	vst v9  }
0xea: {  	v9 =	vld.idx.msk [tilespmem:v11+s2+$0x0], $0xffff;
	[tilespmem:s15+$0x1E0] =	vst v5  }
0xeb: {  	[tilespmem:s14+$0xFFFFFF70] =	vst v8;
	v5 =	vor.u32 $0x7, v3;
	v8 =	vld [tilespmem:s17+$0x10]  }
0xec: {  	v11 =	vor.u32 $0x9, v6;
	v10 =	vld.idx.msk [tilespmem:v10+s2+$0x0], $0xffff;
	[tilespmem:s16+$0xFFFFFEA0] =	vst v12  }
0xed: {  	v12 =	vor.u32 $0xD, v1;
	v16 =	vld.idx.msk [tilespmem:v16+s2+$0x0], $0xffff;
	[tilespmem:s13+$0xFFFFFED0] =	vst v13  }
0xee: {  	v13 =	vor.u32 $0x7, v4;
	[tilespmem:s15+$0xFFFFFFE0] =	vst v0;
	v15 =	vld.idx.msk [tilespmem:v15+s2+$0x0], $0xffff  }
0xef: {  	v17 =	vor.u32 $0x8, v2;
	[tilespmem:s16+$0xC0] =	vst v14;
	v14 =	vld [tilespmem:s17+$0xFFFFFFF0]  }
0xf0: {  	v5 =	vld.idx.msk [tilespmem:v5+s2+$0x0], $0xffff;
	[tilespmem:s13+$0x110] =	vst v9;
	v0 =	vshll.u32 v8, $0x4  }
0xf1: {  	v9 =	vor.u32 $0x8, v3;
	v8 =	vld.idx.msk [tilespmem:v11+s2+$0x0], $0xffff;
	[tilespmem:s14+$0xFFFFFF90] =	vst v10  }
0xf2: {  	v10 =	vld.idx.msk [tilespmem:v12+s2+$0x0], $0xffff;
	[tilespmem:s16+$0xFFFFFEC0] =	vst v16  }
0xf3: {  	v12 =	vor.u32 $0xA, v6;
	v13 =	vld.idx.msk [tilespmem:v13+s2+$0x0], $0xffff;
	[tilespmem:s13+$0xFFFFFEF0] =	vst v15  }
0xf4: {  	v16 =	vor.u32 $0x8, v4;
	v15 =	vld.idx.msk [tilespmem:v17+s2+$0x0], $0xffff  }
0xf5: {  	v11 =	vshll.u32 v14, $0x4;
	[tilespmem:s16+$0xE0] =	vst v5;
	v5 =	vld.idx.msk [tilespmem:v0+s2+$0x0], $0xffff  }
0xf6: {  	v9 =	vld.idx.msk [tilespmem:v9+s2+$0x0], $0xffff;
	[tilespmem:s13+$0x130] =	vst v8;
	v8 =	vor.u32 $0x1, v0  }
0xf7: {  	v14 =	vld [tilespmem:s18+$0x0];
	v17 =	vor.u32 $0x9, v3  }
0xf8: {  	v19 =	vor.u32 $0x9, v2;
	v12 =	vld.idx.msk [tilespmem:v12+s2+$0x0], $0xffff;
	[tilespmem:s16+$0xFFFFFEE0] =	vst v13  }
0xf9: {  	v13 =	vor.u32 $0xB, v6;
	v16 =	vld.idx.msk [tilespmem:v16+s2+$0x0], $0xffff  }
0xfa: {  	v20 =	vor.u32 $0xE, v1;
	v21 =	vld.idx.msk [tilespmem:v11+s2+$0x0], $0xffff;
	[tilespmem:s15+$0x10] =	vst v5  }
0xfb: {  	v22 =	vor.u32 $0x9, v4;
	[tilespmem:s16+$0x100] =	vst v9;
	v8 =	vld.idx.msk [tilespmem:v8+s2+$0x0], $0xffff  }
0xfc: {  	[tilespmem:s13+$0xFFFFFF10] =	vst v15;
	v5 =	vshll.u32 v14, $0x4;
	v9 =	vld.idx.msk [tilespmem:v17+s2+$0x0], $0xffff  }
0xfd: {  	v14 =	vor.u32 $0x2, v0;
	[tilespmem:s13+$0x150] =	vst v12;
	v17 =	vld.idx.msk [tilespmem:v19+s2+$0x0], $0xffff  }
0xfe: {  	[tilespmem:s14+$0xFFFFFFB0] =	vst v10;
	v10 =	vor.u32 $0xA, v3;
	v15 =	vld.idx.msk [tilespmem:v13+s2+$0x0], $0xffff  }
0xff: {  	v13 =	vld.idx.msk [tilespmem:v20+s2+$0x0], $0xffff;
	[tilespmem:s16+$0xFFFFFF00] =	vst v16;
	v16 =	vor.u32 $0xC, v6  }
0x100: {  	[tilespmem:s14+$0x1F0] =	vst v7;
	v12 =	vshll.u32 v18, $0x4;
	v18 =	vld.idx.msk [tilespmem:v22+s2+$0x0], $0xffff  }
0x101: {  	v19 =	vor.u32 $0x1, v11;
	v20 =	vld.idx.msk [tilespmem:v5+s2+$0x0], $0xffff;
	[tilespmem:s15+$0x30] =	vst v8  }
0x102: {  	v8 =	vor.u32 $0xA, v4;
	[tilespmem:s16+$0x120] =	vst v9;
	v9 =	vld.idx.msk [tilespmem:v14+s2+$0x0], $0xffff  }
0x103: {  	v14 =	vor.u32 $0x1, v5;
	v10 =	vld.idx.msk [tilespmem:v10+s2+$0x0], $0xffff;
	[tilespmem:s13+$0x170] =	vst v15  }
0x104: {  	v7 =	vor.u32 $0x3, v0;
	[tilespmem:s15+$0xFFFFFE10] =	vst v21;
	v15 =	vld.idx.msk [tilespmem:v16+s2+$0x0], $0xffff  }
0x105: {  	v21 =	vor.u32 $0xB, v3;
	[tilespmem:s13+$0xFFFFFF30] =	vst v17;
	v16 =	vld.idx.msk [tilespmem:v12+s2+$0x0], $0xffff  }
0x106: {  	s17 =	simm.s32 $0x56C0;
	[tilespmem:s16+$0xFFFFFF20] =	vst v18;
	v18 =	vld.idx.msk [tilespmem:v19+s2+$0x0], $0xffff;
	v19 =	vor.u32 $0xD, v6  }
0x107: {  	v22 =	vor.u32 $0x1, v12;
	[tilespmem:s17+$0x0] =	vst v20;
	v8 =	vld.idx.msk [tilespmem:v8+s2+$0x0], $0xffff  }
0x108: {  	v20 =	vor.u32 $0x2, v11;
	v14 =	vld.idx.msk [tilespmem:v14+s2+$0x0], $0xffff;
	[tilespmem:s15+$0x50] =	vst v9  }
0x109: {  	v9 =	vor.u32 $0xB, v4;
	[tilespmem:s16+$0x140] =	vst v10;
	v7 =	vld.idx.msk [tilespmem:v7+s2+$0x0], $0xffff  }
0x10a: {  	v10 =	vor.u32 $0x2, v5;
	v21 =	vld.idx.msk [tilespmem:v21+s2+$0x0], $0xffff;
	[tilespmem:s13+$0x190] =	vst v15  }
0x10b: {  	[tilespmem:s17+$0xFFFFFE00] =	vst v16;
	v15 =	vor.u32 $0x4, v0;
	v16 =	vld.idx.msk [tilespmem:v19+s2+$0x0], $0xffff  }
0x10c: {  	v19 =	vld.idx.msk [tilespmem:v22+s2+$0x0], $0xffff;
	v22 =	vor.u32 $0xC, v3;
	[tilespmem:s15+$0xFFFFFE30] =	vst v18  }
0x10d: {  	v18 =	vor.u32 $0xE, v6;
	[tilespmem:s16+$0xFFFFFF40] =	vst v8;
	v8 =	vld.idx.msk [tilespmem:v20+s2+$0x0], $0xffff  }
0x10e: {  	v20 =	vor.u32 $0x2, v12;
	[tilespmem:s17+$0x20] =	vst v14;
	v9 =	vld.idx.msk [tilespmem:v9+s2+$0x0], $0xffff  }
0x10f: {  	v14 =	vor.u32 $0x3, v11;
	v10 =	vld.idx.msk [tilespmem:v10+s2+$0x0], $0xffff;
	[tilespmem:s15+$0x70] =	vst v7  }
0x110: {  	v7 =	vor.u32 $0xC, v4;
	[tilespmem:s16+$0x160] =	vst v21;
	v15 =	vld.idx.msk [tilespmem:v15+s2+$0x0], $0xffff  }
0x111: {  	v21 =	vor.u32 $0x3, v5;
	v22 =	vld.idx.msk [tilespmem:v22+s2+$0x0], $0xffff;
	[tilespmem:s13+$0x1B0] =	vst v16  }
0x112: {  	[tilespmem:s17+$0xFFFFFE20] =	vst v19;
	v16 =	vor.u32 $0x5, v0;
	v18 =	vld.idx.msk [tilespmem:v18+s2+$0x0], $0xffff  }
0x113: {  	v19 =	vld.idx.msk [tilespmem:v20+s2+$0x0], $0xffff;
	v20 =	vor.u32 $0xD, v3;
	[tilespmem:s15+$0xFFFFFE50] =	vst v8  }
0x114: {  	v6 =	vor.u32 $0xF, v6;
	[tilespmem:s16+$0xFFFFFF60] =	vst v9;
	v8 =	vld.idx.msk [tilespmem:v14+s2+$0x0], $0xffff  }
0x115: {  	v9 =	vor.u32 $0x3, v12;
	[tilespmem:s17+$0x40] =	vst v10;
	v7 =	vld.idx.msk [tilespmem:v7+s2+$0x0], $0xffff  }
0x116: {  	v10 =	vor.u32 $0x4, v11;
	v14 =	vld.idx.msk [tilespmem:v21+s2+$0x0], $0xffff;
	[tilespmem:s15+$0x90] =	vst v15  }
0x117: {  	v15 =	vor.u32 $0xD, v4;
	[tilespmem:s16+$0x180] =	vst v22;
	v16 =	vld.idx.msk [tilespmem:v16+s2+$0x0], $0xffff  }
0x118: {  	v21 =	vor.u32 $0x4, v5;
	[tilespmem:s13+$0x1D0] =	vst v18;
	v20 =	vld.idx.msk [tilespmem:v20+s2+$0x0], $0xffff  }
0x119: {  	v18 =	vor.u32 $0x6, v0;
	[tilespmem:s17+$0xFFFFFE40] =	vst v19;
	v24 =	vld.idx.msk [tilespmem:v6+s2+$0x0], $0xffff  }
0x11a: {  	v6 =	vor.u32 $0xA, v2;
	v9 =	vld.idx.msk [tilespmem:v9+s2+$0x0], $0xffff;
	[tilespmem:s15+$0xFFFFFE70] =	vst v8  }
0x11b: {  	[tilespmem:s16+$0xFFFFFF80] =	vst v7;
	v7 =	vor.u32 $0xE, v3;
	v8 =	vld.idx.msk [tilespmem:v10+s2+$0x0], $0xffff  }
0x11c: {  	v10 =	vor.u32 $0x4, v12;
	[tilespmem:s17+$0x60] =	vst v14;
	v14 =	vld.idx.msk [tilespmem:v15+s2+$0x0], $0xffff  }
0x11d: {  	v15 =	vor.u32 $0x5, v11;
	v19 =	vld.idx.msk [tilespmem:v21+s2+$0x0], $0xffff;
	[tilespmem:s15+$0xB0] =	vst v16  }
0x11e: {  	[tilespmem:s14+$0xFFFFFFD0] =	vst v13;
	v16 =	vor.u32 $0xE, v4;
	v17 =	vld.idx.msk [tilespmem:v18+s2+$0x0], $0xffff  }
0x11f: {  	[tilespmem:s16+$0x1A0] =	vst v20;
	v18 =	vor.u32 $0x5, v5;
	v6 =	vld.idx.msk [tilespmem:v6+s2+$0x0], $0xffff  }
0x120: {  	[tilespmem:s17+$0xFFFFFE60] =	vst v9;
	v9 =	vor.u32 $0x7, v0;
	v7 =	vld.idx.msk [tilespmem:v7+s2+$0x0], $0xffff  }
0x121: {  	v20 =	vor.u32 $0xB, v2;
	v10 =	vld.idx.msk [tilespmem:v10+s2+$0x0], $0xffff;
	[tilespmem:s15+$0xFFFFFE90] =	vst v8  }
0x122: {  	v3 =	vor.u32 $0xF, v3;
	[tilespmem:s16+$0xFFFFFFA0] =	vst v14;
	v8 =	vld.idx.msk [tilespmem:v15+s2+$0x0], $0xffff  }
0x123: {  	v14 =	vor.u32 $0x5, v12;
	[tilespmem:s17+$0x80] =	vst v19;
	v15 =	vld.idx.msk [tilespmem:v16+s2+$0x0], $0xffff  }
0x124: {  	v16 =	vor.u32 $0x6, v11;
	v18 =	vld.idx.msk [tilespmem:v18+s2+$0x0], $0xffff;
	[tilespmem:s15+$0xD0] =	vst v17  }
0x125: {  	v4 =	vor.u32 $0xF, v4;
	[tilespmem:s13+$0xFFFFFF50] =	vst v6;
	v9 =	vld.idx.msk [tilespmem:v9+s2+$0x0], $0xffff  }
0x126: {  	v6 =	vor.u32 $0x6, v5;
	[tilespmem:s16+$0x1C0] =	vst v7;
	v7 =	vld.idx.msk [tilespmem:v20+s2+$0x0], $0xffff  }
0x127: {  	[tilespmem:s17+$0xFFFFFE80] =	vst v10;
	v10 =	vor.u32 $0x8, v0;
	v3 =	vld.idx.msk [tilespmem:v3+s2+$0x0], $0xffff  }
0x128: {  	v17 =	vor.u32 $0xC, v2;
	v14 =	vld.idx.msk [tilespmem:v14+s2+$0x0], $0xffff;
	[tilespmem:s15+$0xFFFFFEB0] =	vst v8  }
0x129: {  	[tilespmem:s16+$0xFFFFFFC0] =	vst v15;
	v15 =	vld.idx.msk [tilespmem:v16+s2+$0x0], $0xffff  }
0x12a: {  	v16 =	vor.u32 $0x6, v12;
	[tilespmem:s17+$0xA0] =	vst v18;
	v4 =	vld.idx.msk [tilespmem:v4+s2+$0x0], $0xffff  }
0x12b: {  	v18 =	vor.u32 $0x7, v11;
	v19 =	vld.idx.msk [tilespmem:v6+s2+$0x0], $0xffff;
	[tilespmem:s15+$0xF0] =	vst v9  }
0x12c: {  	v20 =	vld.idx.msk [tilespmem:v10+s2+$0x0], $0xffff;
	[tilespmem:s13+$0xFFFFFF70] =	vst v7  }
0x12d: {  	v21 =	vor.u32 $0x7, v5;
	[tilespmem:s16+$0x1E0] =	vst v3;
	v17 =	vld.idx.msk [tilespmem:v17+s2+$0x0], $0xffff  }
0x12e: {  	v25 =	vor.u32 $0xF, v1;
	v27 =	vor.u32 $0xD, v2;
	[tilespmem:s17+$0xFFFFFEA0] =	vst v14;
	v14 =	vld [tilespmem:s19+$0x10]  }
0x12f: {  	v1 =	vor.u32 $0xF, v2;
	v42 =	vor.u32 $0xA, v0;
	v22 =	vor.u32 $0x9, v0;
	v16 =	vld.idx.msk [tilespmem:v16+s2+$0x0], $0xffff;
	[tilespmem:s15+$0xFFFFFED0] =	vst v15  }
0x130: {  	v29 =	vor.u32 $0x7, v12;
	v26 =	vor.u32 $0x8, v12;
	v23 =	vor.u32 $0x9, v12;
	[tilespmem:s16+$0xFFFFFFE0] =	vst v4;
	v28 =	vld.idx.msk [tilespmem:v18+s2+$0x0], $0xffff  }
0x131: {  	v13 =	vor.u32 $0x8, v5;
	v8 =	vor.u32 $0xE, v2;
	v2 =	vor.u32 $0xF, v11;
	[tilespmem:s17+$0xC0] =	vst v19;
	v31 =	vld [tilespmem:s19+$0xFFFFFFF0]  }
0x132: {  	v9 =	vor.u32 $0xA, v11;
	v6 =	vor.u32 $0xC, v11;
	v15 =	vor.u32 $0x8, v11;
	v33 =	vld.idx.msk [tilespmem:v21+s2+$0x0], $0xffff  }
0x133: {  	v35 =	vld.idx.msk [tilespmem:v25+s2+$0x0], $0xffff;
	v10 =	vor.u32 $0x9, v11;
	v7 =	vor.u32 $0xB, v11;
	v3 =	vor.u32 $0xE, v11;
	[tilespmem:s15+$0x110] =	vst v20  }
0x134: {  	v4 =	vor.u32 $0xD, v11;
	v18 =	vor.u32 $0xE, v12;
	v37 =	vld.idx.msk [tilespmem:v22+s2+$0x0], $0xffff;
	[tilespmem:s13+$0xFFFFFF90] =	vst v17;
	v11 =	vshll.u32 v14, $0x4  }
0x135: {  	v19 =	vor.u32 $0xD, v12;
	v21 =	vor.u32 $0xB, v12;
	v20 =	vor.u32 $0xC, v12;
	v41 =	vld.idx.msk [tilespmem:v27+s2+$0x0], $0xffff;
	[tilespmem:s17+$0xFFFFFEC0] =	vst v16  }
0x136: {  	v22 =	vor.u32 $0xA, v12;
	v17 =	vor.u32 $0xF, v12;
	v30 =	vld.idx.msk [tilespmem:v29+s2+$0x0], $0xffff;
	[tilespmem:s15+$0xFFFFFEF0] =	vst v28;
	v25 =	vshll.u32 v31, $0x4  }
0x137: {  	v39 =	vor.u32 $0x1, v11;
	v34 =	vld.idx.msk [tilespmem:v15+s2+$0x0], $0xffff;
	v36 =	vor.u32 $0x1, v25;
	v32 =	vor.u32 $0x2, v25;
	[tilespmem:s17+$0xE0] =	vst v33  }
0x138: {  	[tilespmem:s13+$0x1F0] =	vst v24;
	v28 =	vor.u32 $0x3, v25;
	v27 =	vor.u32 $0x4, v25;
	v24 =	vor.u32 $0x5, v25;
	v40 =	vld.idx.msk [tilespmem:v13+s2+$0x0], $0xffff  }
0x139: {  	v15 =	vor.u32 $0x6, v25;
	v14 =	vor.u32 $0x7, v25;
	v12 =	vor.u32 $0x8, v25;
	[tilespmem:s15+$0x130] =	vst v37;
	v38 =	vld.idx.msk [tilespmem:v11+s2+$0x0], $0xffff  }
0x13a: {  	s20 =	simm.s32 $0x3FE0;
	s19 =	simm.s32 $0x8;
	v33 =	vor.u32 $0x9, v25;
	v16 =	vor.u32 $0xA, v25;
	v13 =	vor.u32 $0xB, v25;
	v37 =	vld.idx.msk [tilespmem:v42+s2+$0x0], $0xffff;
	[tilespmem:s13+$0xFFFFFFB0] =	vst v41  }
.LBB2_2:
0x13b: {  	v41 =	vld [tilespmem:s20+$0x0];
	v42 =	vor.u32 $0x9, v5;
	v31 =	vor.u32 $0xC, v25;
	v29 =	vor.u32 $0xD, v25;
	[tilespmem:s14+$0xFFFFFFF0] =	vst v35;
	s14 =	smov.u32 s13;
	s13 =	smov.u32 s15;
	s15 =	smov.u32 s16  }
0x13c: {  	s19 =	sadd.s32 $0x2, s19;
	v43 =	vor.u32 $0xE, v25;
	v44 =	vor.u32 $0xB, v0;
	s16 =	smov.u32 s17;
	v35 =	vld [tilespmem:s20+$0xFFFFFFE0];
	[tilespmem:s17+$0xFFFFFEE0] =	vst v30;
	v30 =	vor.u32 $0xF, v25  }
0x13d: {  	p0 =	slt.u32 s19, $0x30;
	v26 =	vld.idx.msk [tilespmem:v26+s2+$0x0], $0xffff;
	[tilespmem:s13+$0xFFFFFF10] =	vst v34  }
0x13e: {  	v45 =	vld.idx.msk [tilespmem:v25+s2+$0x0], $0xffff;
	[tilespmem:s15+$0x10] =	vst v38  }
0x13f: {  	[tilespmem:s17+$0x100] =	vst v40;
	v39 =	vld.idx.msk [tilespmem:v39+s2+$0x0], $0xffff  }
0x140: {  	v34 =	vshll.u32 v41, $0x4;
	v40 =	vld.idx.msk [tilespmem:v42+s2+$0x0], $0xffff;
	[tilespmem:s13+$0x150] =	vst v37  }
0x141: {  	v37 =	vor.u32 $0x2, v11;
	v41 =	vshll.u32 v35, $0x4;
	v42 =	vld.idx.msk [tilespmem:v44+s2+$0x0], $0xffff  }
0x142: {  	v47 =	vor.u32 $0xA, v5;
	v44 =	vor.u32 $0x1, v41;
	v46 =	vor.u32 $0x2, v41;
	v48 =	vld.idx.msk [tilespmem:v10+s2+$0x0], $0xffff;
	v10 =	vmovc v33  }
0x143: {  	v50 =	vor.u32 $0xC, v0;
	v49 =	vor.u32 $0x3, v41;
	v38 =	vor.u32 $0x4, v41;
	[tilespmem:s17+$0xFFFFFF00] =	vst v26;
	v51 =	vld.idx.msk [tilespmem:v8+s2+$0x0], $0xffff;
	v8 =	vmovc v3;
	v3 =	vmovc v43  }
0x144: {  	v35 =	vor.u32 $0x5, v41;
	v33 =	vor.u32 $0x6, v41;
	v25 =	vor.u32 $0x7, v41;
	v43 =	vld.idx.msk [tilespmem:v23+s2+$0x0], $0xffff;
	[tilespmem:s15+$0xFFFFFE10] =	vst v45  }
0x145: {  	v26 =	vor.u32 $0x8, v41;
	v23 =	vor.u32 $0x9, v41;
	v45 =	vor.u32 $0xA, v41;
	v52 =	vld.idx.msk [tilespmem:v34+s2+$0x0], $0xffff;
	[tilespmem:s15+$0x30] =	vst v39  }
0x146: {  	v53 =	vor.u32 $0xC, v41;
	v54 =	vor.u32 $0xD, v41;
	v39 =	vor.u32 $0xB, v41;
	[tilespmem:s17+$0x120] =	vst v40;
	v40 =	vld.idx.msk [tilespmem:v37+s2+$0x0], $0xffff  }
0x147: {  	v56 =	vor.u32 $0x1, v34;
	v55 =	vor.u32 $0xE, v41;
	v37 =	vor.u32 $0xF, v41;
	v47 =	vld.idx.msk [tilespmem:v47+s2+$0x0], $0xffff;
	[tilespmem:s13+$0x170] =	vst v42  }
0x148: {  	v42 =	vor.u32 $0x3, v11;
	[tilespmem:s13+$0xFFFFFF30] =	vst v48;
	v48 =	vld.idx.msk [tilespmem:v50+s2+$0x0], $0xffff  }
0x149: {  	v50 =	vor.u32 $0xB, v5;
	v41 =	vld.idx.msk [tilespmem:v41+s2+$0x0], $0xffff;
	[tilespmem:s14+$0xFFFFFFD0] =	vst v51  }
0x14a: {  	s17 =	sadd.s32 $0x400, s17;
	[tilespmem:s16+$0xFFFFFF20] =	vst v43;
	v36 =	vld.idx.msk [tilespmem:v36+s2+$0x0], $0xffff;
	v43 =	vor.u32 $0xD, v0  }
0x14b: {  	[tilespmem:s17+$0x0] =	vst v52;
	v51 =	vld.idx.msk [tilespmem:v22+s2+$0x0], $0xffff;
	v22 =	vmov v45  }
0x14c: {  	v45 =	vld.idx.msk [tilespmem:v56+s2+$0x0], $0xffff;
	[tilespmem:s15+$0x50] =	vst v40  }
0x14d: {  	[tilespmem:s16+$0x140] =	vst v47;
	v40 =	vld.idx.msk [tilespmem:v42+s2+$0x0], $0xffff  }
0x14e: {  	v42 =	vor.u32 $0x2, v34;
	v47 =	vld.idx.msk [tilespmem:v50+s2+$0x0], $0xffff;
	[tilespmem:s13+$0x190] =	vst v48  }
0x14f: {  	[tilespmem:s17+$0xFFFFFE00] =	vst v41;
	v41 =	vor.u32 $0x4, v11;
	v43 =	vld.idx.msk [tilespmem:v43+s2+$0x0], $0xffff  }
0x150: {  	v48 =	vor.u32 $0xC, v5;
	v44 =	vld.idx.msk [tilespmem:v44+s2+$0x0], $0xffff;
	[tilespmem:s15+$0xFFFFFE30] =	vst v36  }
0x151: {  	v36 =	vor.u32 $0xE, v0;
	[tilespmem:s16+$0xFFFFFF40] =	vst v51;
	v32 =	vld.idx.msk [tilespmem:v32+s2+$0x0], $0xffff  }
0x152: {  	[tilespmem:s17+$0x20] =	vst v45;
	v45 =	vld.idx.msk [tilespmem:v21+s2+$0x0], $0xffff;
	v21 =	vmov v39  }
0x153: {  	v39 =	vld.idx.msk [tilespmem:v42+s2+$0x0], $0xffff;
	[tilespmem:s15+$0x70] =	vst v40  }
0x154: {  	[tilespmem:s16+$0x160] =	vst v47;
	v40 =	vld.idx.msk [tilespmem:v41+s2+$0x0], $0xffff  }
0x155: {  	v41 =	vor.u32 $0x3, v34;
	v42 =	vld.idx.msk [tilespmem:v48+s2+$0x0], $0xffff;
	[tilespmem:s13+$0x1B0] =	vst v43  }
0x156: {  	v43 =	vor.u32 $0x5, v11;
	[tilespmem:s17+$0xFFFFFE20] =	vst v44;
	v36 =	vld.idx.msk [tilespmem:v36+s2+$0x0], $0xffff  }
0x157: {  	v44 =	vld.idx.msk [tilespmem:v46+s2+$0x0], $0xffff;
	v46 =	vor.u32 $0xD, v5;
	[tilespmem:s15+$0xFFFFFE50] =	vst v32  }
0x158: {  	v32 =	vor.u32 $0xF, v0;
	v0 =	vmov v11;
	[tilespmem:s16+$0xFFFFFF60] =	vst v45;
	v28 =	vld.idx.msk [tilespmem:v28+s2+$0x0], $0xffff  }
0x159: {  	[tilespmem:s17+$0x40] =	vst v39;
	v11 =	vld.idx.msk [tilespmem:v20+s2+$0x0], $0xffff;
	v20 =	vmov v53  }
0x15a: {  	v39 =	vld.idx.msk [tilespmem:v41+s2+$0x0], $0xffff;
	[tilespmem:s15+$0x90] =	vst v40  }
0x15b: {  	[tilespmem:s16+$0x180] =	vst v42;
	v40 =	vld.idx.msk [tilespmem:v43+s2+$0x0], $0xffff  }
0x15c: {  	v41 =	vor.u32 $0x4, v34;
	v42 =	vld.idx.msk [tilespmem:v46+s2+$0x0], $0xffff;
	[tilespmem:s13+$0x1D0] =	vst v36  }
0x15d: {  	v36 =	vor.u32 $0x6, v0;
	[tilespmem:s17+$0xFFFFFE40] =	vst v44;
	v32 =	vld.idx.msk [tilespmem:v32+s2+$0x0], $0xffff  }
0x15e: {  	v43 =	vld.idx.msk [tilespmem:v49+s2+$0x0], $0xffff;
	[tilespmem:s15+$0xFFFFFE70] =	vst v28  }
0x15f: {  	[tilespmem:s16+$0xFFFFFF80] =	vst v11;
	v11 =	vor.u32 $0xE, v5;
	v27 =	vld.idx.msk [tilespmem:v27+s2+$0x0], $0xffff  }
0x160: {  	[tilespmem:s17+$0x60] =	vst v39;
	v28 =	vld.idx.msk [tilespmem:v19+s2+$0x0], $0xffff;
	v19 =	vmov v54  }
0x161: {  	v39 =	vld.idx.msk [tilespmem:v41+s2+$0x0], $0xffff;
	[tilespmem:s15+$0xB0] =	vst v40  }
0x162: {  	[tilespmem:s16+$0x1A0] =	vst v42;
	v36 =	vld.idx.msk [tilespmem:v36+s2+$0x0], $0xffff  }
0x163: {  	v40 =	vor.u32 $0x5, v34;
	v41 =	vld.idx.msk [tilespmem:v9+s2+$0x0], $0xffff;
	[tilespmem:s13+$0x1F0] =	vst v32;
	v9 =	vmov v16  }
0x164: {  	v16 =	vor.u32 $0x7, v0;
	[tilespmem:s17+$0xFFFFFE60] =	vst v43;
	v11 =	vld.idx.msk [tilespmem:v11+s2+$0x0], $0xffff  }
0x165: {  	v32 =	vld.idx.msk [tilespmem:v38+s2+$0x0], $0xffff;
	[tilespmem:s15+$0xFFFFFE90] =	vst v27  }
0x166: {  	v27 =	vor.u32 $0xF, v5;
	v5 =	vmov v34;
	[tilespmem:s16+$0xFFFFFFA0] =	vst v28;
	v24 =	vld.idx.msk [tilespmem:v24+s2+$0x0], $0xffff  }
0x167: {  	[tilespmem:s17+$0x80] =	vst v39;
	v28 =	vld.idx.msk [tilespmem:v18+s2+$0x0], $0xffff;
	v18 =	vmov v55  }
0x168: {  	v34 =	vld.idx.msk [tilespmem:v40+s2+$0x0], $0xffff;
	[tilespmem:s15+$0xD0] =	vst v36  }
0x169: {  	v16 =	vld.idx.msk [tilespmem:v16+s2+$0x0], $0xffff;
	[tilespmem:s13+$0xFFFFFF50] =	vst v41  }
0x16a: {  	v36 =	vor.u32 $0x6, v5;
	[tilespmem:s16+$0x1C0] =	vst v11;
	v11 =	vld.idx.msk [tilespmem:v7+s2+$0x0], $0xffff;
	v7 =	vmov v13  }
0x16b: {  	[tilespmem:s17+$0xFFFFFE80] =	vst v32;
	v13 =	vld.idx.msk [tilespmem:v27+s2+$0x0], $0xffff;
	v27 =	vor.u32 $0x8, v0  }
0x16c: {  	v32 =	vld.idx.msk [tilespmem:v35+s2+$0x0], $0xffff;
	[tilespmem:s15+$0xFFFFFEB0] =	vst v24  }
0x16d: {  	[tilespmem:s16+$0xFFFFFFC0] =	vst v28;
	v15 =	vld.idx.msk [tilespmem:v15+s2+$0x0], $0xffff  }
0x16e: {  	[tilespmem:s17+$0xA0] =	vst v34;
	v24 =	vld.idx.msk [tilespmem:v17+s2+$0x0], $0xffff;
	v17 =	vmov v37  }
0x16f: {  	v28 =	vld.idx.msk [tilespmem:v36+s2+$0x0], $0xffff;
	[tilespmem:s15+$0xF0] =	vst v16  }
0x170: {  	v16 =	vld.idx.msk [tilespmem:v27+s2+$0x0], $0xffff;
	[tilespmem:s13+$0xFFFFFF70] =	vst v11  }
0x171: {  	v11 =	vor.u32 $0x7, v5;
	[tilespmem:s16+$0x1E0] =	vst v13;
	v13 =	vld.idx.msk [tilespmem:v6+s2+$0x0], $0xffff;
	v6 =	vmov v31  }
0x172: {  	v31 =	vor.u32 $0x9, v0;
	[tilespmem:s17+$0xFFFFFEA0] =	vst v32;
	v27 =	vld [tilespmem:s18+$0x10]  }
0x173: {  	v32 =	vld.idx.msk [tilespmem:v33+s2+$0x0], $0xffff;
	[tilespmem:s15+$0xFFFFFED0] =	vst v15  }
0x174: {  	[tilespmem:s16+$0xFFFFFFE0] =	vst v24;
	v14 =	vld.idx.msk [tilespmem:v14+s2+$0x0], $0xffff  }
0x175: {  	[tilespmem:s17+$0xC0] =	vst v28;
	v15 =	vld [tilespmem:s18+$0xFFFFFFF0];
	s18 =	smov.u32 s20  }
0x176: {  	v24 =	vld.idx.msk [tilespmem:v11+s2+$0x0], $0xffff;
	[tilespmem:s15+$0x110] =	vst v16  }
0x177: {  	v11 =	vshll.u32 v27, $0x4;
	v16 =	vld.idx.msk [tilespmem:v31+s2+$0x0], $0xffff;
	[tilespmem:s13+$0xFFFFFF90] =	vst v13  }
0x178: {  	v13 =	vor.u32 $0x8, v5;
	v31 =	vld.idx.msk [tilespmem:v4+s2+$0x0], $0xffff;
	v4 =	vmov v29  }
0x179: {  	v29 =	vor.u32 $0xA, v0;
	[tilespmem:s17+$0xFFFFFEC0] =	vst v32;
	v35 =	vld.idx.msk [tilespmem:v1+s2+$0x0], $0xffff;
	v1 =	vmov v2;
	v2 =	vmov v30  }
.Ltmp0:
0x17a: {  	v30 =	vld.idx.msk [tilespmem:v25+s2+$0x0], $0xffff;
	v25 =	vshll.u32 v15, $0x4;
	[tilespmem:s15+$0xFFFFFEF0] =	vst v14;
	(pc) =	sbr.rel @p0 .LBB2_2-.Ltmp0, $4  }
0x17b: {  	v36 =	vor.u32 $0x1, v25;
	v32 =	vor.u32 $0x2, v25;
	v28 =	vor.u32 $0x3, v25;
	v34 =	vld.idx.msk [tilespmem:v12+s2+$0x0], $0xffff  }
0x17c: {  	v27 =	vor.u32 $0x4, v25;
	v15 =	vor.u32 $0x6, v25;
	[tilespmem:s17+$0xE0] =	vst v24;
	v24 =	vor.u32 $0x5, v25;
	v38 =	vld.idx.msk [tilespmem:v11+s2+$0x0], $0xffff  }
0x17d: {  	v14 =	vor.u32 $0x7, v25;
	v12 =	vor.u32 $0x8, v25;
	v33 =	vor.u32 $0x9, v25;
	v40 =	vld.idx.msk [tilespmem:v13+s2+$0x0], $0xffff;
	[tilespmem:s15+$0x130] =	vst v16  }
0x17e: {  	s20 =	sadd.s32 $0x40, s20;
	v39 =	vor.u32 $0x1, v11;
	v16 =	vor.u32 $0xA, v25;
	v13 =	vor.u32 $0xB, v25;
	v37 =	vld.idx.msk [tilespmem:v29+s2+$0x0], $0xffff;
	[tilespmem:s13+$0xFFFFFFB0] =	vst v31  }
0x17f: {  	_ =	sdelay $0x2  }
0x180: {  	[tilespmem:s17+$0xFFFFFEE0] =	vst v30  }
0x181: {  	v29 =	vor.u32 $0x9, v5;
	v26 =	vld.idx.msk [tilespmem:v26+s2+$0x0], $0xffff;
	_ =	sdelay $0x3  }
0x182: {  	[tilespmem:s17+$0x100] =	vst v40  }
0x183: {  	v29 =	vld.idx.msk [tilespmem:v29+s2+$0x0], $0xffff;
	[tilespmem:s17+$0xFFFFFF00] =	vst v26  }
0x184: {  	v41 =	vor.u32 $0xA, v5;
	v23 =	vld.idx.msk [tilespmem:v23+s2+$0x0], $0xffff;
	_ =	sdelay $0x3  }
0x185: {  	[tilespmem:s17+$0x120] =	vst v29  }
0x186: {  	v42 =	vld.idx.msk [tilespmem:v41+s2+$0x0], $0xffff;
	[tilespmem:s17+$0xFFFFFF20] =	vst v23  }
0x187: {  	v43 =	vor.u32 $0xB, v5;
	v22 =	vld.idx.msk [tilespmem:v22+s2+$0x0], $0xffff;
	_ =	sdelay $0x3  }
0x188: {  	[tilespmem:s17+$0x140] =	vst v42  }
0x189: {  	v44 =	vld.idx.msk [tilespmem:v43+s2+$0x0], $0xffff;
	[tilespmem:s17+$0xFFFFFF40] =	vst v22  }
0x18a: {  	v45 =	vor.u32 $0xC, v5;
	v21 =	vld.idx.msk [tilespmem:v21+s2+$0x0], $0xffff;
	_ =	sdelay $0x3  }
0x18b: {  	[tilespmem:s17+$0x160] =	vst v44  }
0x18c: {  	v46 =	vld.idx.msk [tilespmem:v45+s2+$0x0], $0xffff;
	[tilespmem:s17+$0xFFFFFF60] =	vst v21  }
0x18d: {  	v47 =	vor.u32 $0xD, v5;
	v20 =	vld.idx.msk [tilespmem:v20+s2+$0x0], $0xffff;
	_ =	sdelay $0x3  }
0x18e: {  	[tilespmem:s17+$0x180] =	vst v46  }
0x18f: {  	v48 =	vld.idx.msk [tilespmem:v47+s2+$0x0], $0xffff;
	[tilespmem:s17+$0xFFFFFF80] =	vst v20  }
0x190: {  	v49 =	vor.u32 $0xE, v5;
	v19 =	vld.idx.msk [tilespmem:v19+s2+$0x0], $0xffff;
	_ =	sdelay $0x3  }
0x191: {  	[tilespmem:s17+$0x1A0] =	vst v48  }
0x192: {  	v20 =	vld.idx.msk [tilespmem:v49+s2+$0x0], $0xffff;
	[tilespmem:s17+$0xFFFFFFA0] =	vst v19  }
0x193: {  	v50 =	vor.u32 $0xF, v5;
	v18 =	vld.idx.msk [tilespmem:v18+s2+$0x0], $0xffff;
	_ =	sdelay $0x3  }
0x194: {  	[tilespmem:s17+$0x1C0] =	vst v20  }
0x195: {  	v5 =	vld.idx.msk [tilespmem:v50+s2+$0x0], $0xffff;
	[tilespmem:s17+$0xFFFFFFC0] =	vst v18  }
0x196: {  	v17 =	vld.idx.msk [tilespmem:v17+s2+$0x0], $0xffff;
	_ =	sdelay $0x3  }
0x197: {  	[tilespmem:s17+$0x1E0] =	vst v5  }
0x198: {  	v5 =	vld [tilespmem:s18+$0x10];
	[tilespmem:s17+$0xFFFFFFE0] =	vst v17  }
0x199: {  	v18 =	vld [tilespmem:s18+$0xFFFFFFF0];
	_ =	sdelay $0x3  }
0x19a: {  	v17 =	vshll.u32 v5, $0x4  }
0x19b: {  	v5 =	vshll.u32 v18, $0x4;
	_ =	sdelay $0x2  }
0x19c: {  	v52 =	vld.idx.msk [tilespmem:v25+s2+$0x0], $0xffff  }
0x19d: {  	v51 =	vld.idx.msk [tilespmem:v17+s2+$0x0], $0xffff  }
0x19e: {  	v53 =	vor.u32 $0x1, v17;
	v54 =	vld.idx.msk [tilespmem:v5+s2+$0x0], $0xffff  }
0x19f: {  	v55 =	vor.u32 $0x1, v5  }
0x1a0: {  	[tilespmem:s16+$0x10] =	vst v38  }
0x1a1: {  	v56 =	vld.idx.msk [tilespmem:v39+s2+$0x0], $0xffff;
	[tilespmem:s16+$0xFFFFFE10] =	vst v52  }
0x1a2: {  	v57 =	vor.u32 $0x2, v11;
	v19 =	vld.idx.msk [tilespmem:v36+s2+$0x0], $0xffff;
	[tilespmem:s17+$0x10] =	vst v51  }
0x1a3: {  	v18 =	vld.idx.msk [tilespmem:v53+s2+$0x0], $0xffff;
	[tilespmem:s17+$0xFFFFFE10] =	vst v54  }
0x1a4: {  	v58 =	vor.u32 $0x2, v17;
	v21 =	vld.idx.msk [tilespmem:v55+s2+$0x0], $0xffff  }
0x1a5: {  	v59 =	vor.u32 $0x2, v5  }
0x1a6: {  	[tilespmem:s16+$0x30] =	vst v56  }
0x1a7: {  	v23 =	vld.idx.msk [tilespmem:v57+s2+$0x0], $0xffff;
	[tilespmem:s16+$0xFFFFFE30] =	vst v19  }
0x1a8: {  	v60 =	vor.u32 $0x3, v11;
	v19 =	vld.idx.msk [tilespmem:v32+s2+$0x0], $0xffff;
	[tilespmem:s17+$0x30] =	vst v18  }
0x1a9: {  	v18 =	vld.idx.msk [tilespmem:v58+s2+$0x0], $0xffff;
	[tilespmem:s17+$0xFFFFFE30] =	vst v21  }
0x1aa: {  	v61 =	vor.u32 $0x3, v17;
	v21 =	vld.idx.msk [tilespmem:v59+s2+$0x0], $0xffff  }
0x1ab: {  	v62 =	vor.u32 $0x3, v5  }
0x1ac: {  	[tilespmem:s16+$0x50] =	vst v23  }
0x1ad: {  	v23 =	vld.idx.msk [tilespmem:v60+s2+$0x0], $0xffff;
	[tilespmem:s16+$0xFFFFFE50] =	vst v19  }
0x1ae: {  	v63 =	vor.u32 $0x4, v11;
	v19 =	vld.idx.msk [tilespmem:v28+s2+$0x0], $0xffff;
	[tilespmem:s17+$0x50] =	vst v18  }
0x1af: {  	v18 =	vld.idx.msk [tilespmem:v61+s2+$0x0], $0xffff;
	[tilespmem:s17+$0xFFFFFE50] =	vst v21  }
0x1b0: {  	v28 =	vor.u32 $0x4, v17;
	v21 =	vld.idx.msk [tilespmem:v62+s2+$0x0], $0xffff  }
0x1b1: {  	v29 =	vor.u32 $0x4, v5  }
0x1b2: {  	[tilespmem:s16+$0x70] =	vst v23  }
0x1b3: {  	v23 =	vld.idx.msk [tilespmem:v63+s2+$0x0], $0xffff;
	[tilespmem:s16+$0xFFFFFE70] =	vst v19  }
0x1b4: {  	v30 =	vor.u32 $0x5, v11;
	v19 =	vld.idx.msk [tilespmem:v27+s2+$0x0], $0xffff;
	[tilespmem:s17+$0x70] =	vst v18  }
0x1b5: {  	v18 =	vld.idx.msk [tilespmem:v28+s2+$0x0], $0xffff;
	[tilespmem:s17+$0xFFFFFE70] =	vst v21  }
0x1b6: {  	v31 =	vor.u32 $0x5, v17;
	v21 =	vld.idx.msk [tilespmem:v29+s2+$0x0], $0xffff  }
0x1b7: {  	v32 =	vor.u32 $0x5, v5  }
0x1b8: {  	[tilespmem:s16+$0x90] =	vst v23  }
0x1b9: {  	v23 =	vld.idx.msk [tilespmem:v30+s2+$0x0], $0xffff;
	[tilespmem:s16+$0xFFFFFE90] =	vst v19  }
0x1ba: {  	v36 =	vor.u32 $0x6, v11;
	v19 =	vld.idx.msk [tilespmem:v24+s2+$0x0], $0xffff;
	[tilespmem:s17+$0x90] =	vst v18  }
0x1bb: {  	v18 =	vld.idx.msk [tilespmem:v31+s2+$0x0], $0xffff;
	[tilespmem:s17+$0xFFFFFE90] =	vst v21  }
0x1bc: {  	v38 =	vor.u32 $0x6, v17;
	v21 =	vld.idx.msk [tilespmem:v32+s2+$0x0], $0xffff  }
0x1bd: {  	v39 =	vor.u32 $0x6, v5  }
0x1be: {  	[tilespmem:s16+$0xB0] =	vst v23  }
0x1bf: {  	v23 =	vld.idx.msk [tilespmem:v36+s2+$0x0], $0xffff;
	[tilespmem:s16+$0xFFFFFEB0] =	vst v19  }
0x1c0: {  	v40 =	vor.u32 $0x7, v11;
	v15 =	vld.idx.msk [tilespmem:v15+s2+$0x0], $0xffff;
	[tilespmem:s17+$0xB0] =	vst v18  }
0x1c1: {  	v18 =	vld.idx.msk [tilespmem:v38+s2+$0x0], $0xffff;
	[tilespmem:s17+$0xFFFFFEB0] =	vst v21  }
0x1c2: {  	v41 =	vor.u32 $0x7, v17;
	v42 =	vld.idx.msk [tilespmem:v39+s2+$0x0], $0xffff  }
0x1c3: {  	v43 =	vor.u32 $0x7, v5  }
0x1c4: {  	[tilespmem:s16+$0xD0] =	vst v23  }
0x1c5: {  	v44 =	vld.idx.msk [tilespmem:v40+s2+$0x0], $0xffff;
	[tilespmem:s16+$0xFFFFFED0] =	vst v15  }
0x1c6: {  	v45 =	vor.u32 $0x8, v11;
	v14 =	vld.idx.msk [tilespmem:v14+s2+$0x0], $0xffff;
	[tilespmem:s17+$0xD0] =	vst v18  }
0x1c7: {  	v46 =	vld.idx.msk [tilespmem:v41+s2+$0x0], $0xffff;
	[tilespmem:s17+$0xFFFFFED0] =	vst v42  }
0x1c8: {  	v47 =	vor.u32 $0x8, v17;
	v48 =	vld.idx.msk [tilespmem:v43+s2+$0x0], $0xffff  }
0x1c9: {  	[tilespmem:s14+$0xFFFFFFF0] =	vst v35;
	v49 =	vor.u32 $0x8, v5  }
0x1ca: {  	[tilespmem:s16+$0xF0] =	vst v44  }
0x1cb: {  	v22 =	vld.idx.msk [tilespmem:v45+s2+$0x0], $0xffff;
	[tilespmem:s16+$0xFFFFFEF0] =	vst v14  }
0x1cc: {  	v51 =	vor.u32 $0x9, v11;
	v12 =	vld.idx.msk [tilespmem:v12+s2+$0x0], $0xffff;
	[tilespmem:s17+$0xF0] =	vst v46  }
0x1cd: {  	v52 =	vld.idx.msk [tilespmem:v47+s2+$0x0], $0xffff;
	[tilespmem:s17+$0xFFFFFEF0] =	vst v48  }
0x1ce: {  	[tilespmem:s15+$0xFFFFFF10] =	vst v34;
	v53 =	vor.u32 $0x9, v17;
	v54 =	vld.idx.msk [tilespmem:v49+s2+$0x0], $0xffff  }
0x1cf: {  	v8 =	vld.idx.msk [tilespmem:v8+s2+$0x0], $0xffff;
	[tilespmem:s15+$0x150] =	vst v37;
	v56 =	vor.u32 $0x9, v5  }
0x1d0: {  	v10 =	vld.idx.msk [tilespmem:v10+s2+$0x0], $0xffff;
	[tilespmem:s16+$0x110] =	vst v22  }
0x1d1: {  	v57 =	vld.idx.msk [tilespmem:v51+s2+$0x0], $0xffff;
	[tilespmem:s16+$0xFFFFFF10] =	vst v12  }
0x1d2: {  	v58 =	vor.u32 $0xA, v11;
	v60 =	vld.idx.msk [tilespmem:v33+s2+$0x0], $0xffff;
	[tilespmem:s17+$0x110] =	vst v52  }
0x1d3: {  	v59 =	vld.idx.msk [tilespmem:v53+s2+$0x0], $0xffff;
	[tilespmem:s17+$0xFFFFFF10] =	vst v54  }
0x1d4: {  	[tilespmem:s13+$0xFFFFFFD0] =	vst v8;
	v61 =	vor.u32 $0xA, v17;
	v18 =	vld.idx.msk [tilespmem:v56+s2+$0x0], $0xffff  }
0x1d5: {  	v1 =	vld.idx.msk [tilespmem:v1+s2+$0x0], $0xffff;
	[tilespmem:s15+$0xFFFFFF30] =	vst v10;
	v62 =	vor.u32 $0xA, v5  }
0x1d6: {  	v9 =	vld.idx.msk [tilespmem:v9+s2+$0x0], $0xffff;
	v50 =	vor.u32 $0xB, v0;
	[tilespmem:s16+$0x130] =	vst v57  }
0x1d7: {  	v24 =	vld.idx.msk [tilespmem:v58+s2+$0x0], $0xffff;
	[tilespmem:s16+$0xFFFFFF30] =	vst v60  }
0x1d8: {  	v26 =	vor.u32 $0xB, v11;
	v14 =	vld.idx.msk [tilespmem:v16+s2+$0x0], $0xffff;
	[tilespmem:s17+$0x130] =	vst v59  }
0x1d9: {  	v12 =	vld.idx.msk [tilespmem:v61+s2+$0x0], $0xffff;
	[tilespmem:s17+$0xFFFFFF30] =	vst v18  }
0x1da: {  	[tilespmem:s13+$0xFFFFFFF0] =	vst v1;
	v27 =	vor.u32 $0xB, v17;
	v28 =	vld.idx.msk [tilespmem:v62+s2+$0x0], $0xffff  }
0x1db: {  	[tilespmem:s15+$0xFFFFFF50] =	vst v9;
	v30 =	vor.u32 $0xB, v5;
	v55 =	vld.idx.msk [tilespmem:v50+s2+$0x0], $0xffff  }
0x1dc: {  	v7 =	vld.idx.msk [tilespmem:v7+s2+$0x0], $0xffff;
	v63 =	vor.u32 $0xC, v0;
	[tilespmem:s16+$0x150] =	vst v24  }
0x1dd: {  	v32 =	vld.idx.msk [tilespmem:v26+s2+$0x0], $0xffff;
	[tilespmem:s16+$0xFFFFFF50] =	vst v14  }
0x1de: {  	v33 =	vor.u32 $0xC, v11;
	v13 =	vld.idx.msk [tilespmem:v13+s2+$0x0], $0xffff;
	[tilespmem:s17+$0x150] =	vst v12  }
0x1df: {  	v35 =	vor.u32 $0xC, v25;
	v12 =	vld.idx.msk [tilespmem:v27+s2+$0x0], $0xffff;
	[tilespmem:s17+$0xFFFFFF50] =	vst v28  }
0x1e0: {  	v34 =	vor.u32 $0xC, v17;
	[tilespmem:s15+$0x170] =	vst v55;
	v36 =	vld.idx.msk [tilespmem:v30+s2+$0x0], $0xffff  }
0x1e1: {  	[tilespmem:s15+$0xFFFFFF70] =	vst v7;
	v37 =	vor.u32 $0xC, v5;
	v29 =	vld.idx.msk [tilespmem:v63+s2+$0x0], $0xffff  }
0x1e2: {  	v6 =	vld.idx.msk [tilespmem:v6+s2+$0x0], $0xffff;
	v31 =	vor.u32 $0xD, v0;
	[tilespmem:s16+$0x170] =	vst v32  }
0x1e3: {  	v39 =	vld.idx.msk [tilespmem:v33+s2+$0x0], $0xffff;
	[tilespmem:s16+$0xFFFFFF70] =	vst v13  }
0x1e4: {  	v40 =	vor.u32 $0xD, v11;
	v8 =	vld.idx.msk [tilespmem:v35+s2+$0x0], $0xffff;
	[tilespmem:s17+$0x170] =	vst v12  }
0x1e5: {  	v42 =	vor.u32 $0xD, v25;
	v12 =	vld.idx.msk [tilespmem:v34+s2+$0x0], $0xffff;
	[tilespmem:s17+$0xFFFFFF70] =	vst v36  }
0x1e6: {  	[tilespmem:s15+$0x190] =	vst v29;
	v41 =	vor.u32 $0xD, v17;
	v43 =	vld.idx.msk [tilespmem:v37+s2+$0x0], $0xffff  }
0x1e7: {  	[tilespmem:s15+$0xFFFFFF90] =	vst v6;
	v44 =	vor.u32 $0xD, v5;
	v10 =	vld.idx.msk [tilespmem:v31+s2+$0x0], $0xffff  }
0x1e8: {  	v4 =	vld.idx.msk [tilespmem:v4+s2+$0x0], $0xffff;
	v38 =	vor.u32 $0xE, v0;
	[tilespmem:s16+$0x190] =	vst v39  }
0x1e9: {  	v46 =	vld.idx.msk [tilespmem:v40+s2+$0x0], $0xffff;
	[tilespmem:s16+$0xFFFFFF90] =	vst v8  }
0x1ea: {  	v47 =	vor.u32 $0xE, v11;
	v49 =	vld.idx.msk [tilespmem:v42+s2+$0x0], $0xffff;
	[tilespmem:s17+$0x190] =	vst v12  }
0x1eb: {  	v51 =	vor.u32 $0xE, v25;
	v48 =	vld.idx.msk [tilespmem:v41+s2+$0x0], $0xffff;
	[tilespmem:s17+$0xFFFFFF90] =	vst v43  }
0x1ec: {  	v50 =	vor.u32 $0xE, v17;
	[tilespmem:s15+$0x1B0] =	vst v10;
	v52 =	vld.idx.msk [tilespmem:v44+s2+$0x0], $0xffff  }
0x1ed: {  	[tilespmem:s15+$0xFFFFFFB0] =	vst v4;
	v9 =	vld.idx.msk [tilespmem:v38+s2+$0x0], $0xffff;
	v53 =	vor.u32 $0xE, v5  }
0x1ee: {  	v3 =	vld.idx.msk [tilespmem:v3+s2+$0x0], $0xffff;
	v45 =	vor.u32 $0xF, v0;
	[tilespmem:s16+$0x1B0] =	vst v46  }
0x1ef: {  	v54 =	vld.idx.msk [tilespmem:v47+s2+$0x0], $0xffff;
	[tilespmem:s16+$0xFFFFFFB0] =	vst v49  }
0x1f0: {  	v55 =	vor.u32 $0xF, v11;
	v57 =	vld.idx.msk [tilespmem:v51+s2+$0x0], $0xffff;
	[tilespmem:s17+$0x1B0] =	vst v48  }
0x1f1: {  	v59 =	vor.u32 $0xF, v25;
	v56 =	vld.idx.msk [tilespmem:v50+s2+$0x0], $0xffff;
	[tilespmem:s17+$0xFFFFFFB0] =	vst v52  }
0x1f2: {  	v58 =	vor.u32 $0xF, v17;
	[tilespmem:s15+$0x1D0] =	vst v9;
	v60 =	vld.idx.msk [tilespmem:v53+s2+$0x0], $0xffff  }
0x1f3: {  	[tilespmem:s15+$0xFFFFFFD0] =	vst v3;
	v0 =	vld.idx.msk [tilespmem:v45+s2+$0x0], $0xffff;
	v5 =	vor.u32 $0xF, v5  }
0x1f4: {  	v2 =	vld.idx.msk [tilespmem:v2+s2+$0x0], $0xffff;
	[tilespmem:s16+$0x1D0] =	vst v54  }
0x1f5: {  	v61 =	vld.idx.msk [tilespmem:v55+s2+$0x0], $0xffff;
	[tilespmem:s16+$0xFFFFFFD0] =	vst v57  }
0x1f6: {  	v63 =	vld.idx.msk [tilespmem:v59+s2+$0x0], $0xffff;
	[tilespmem:s17+$0x1D0] =	vst v56  }
0x1f7: {  	v62 =	vld.idx.msk [tilespmem:v58+s2+$0x0], $0xffff;
	[tilespmem:s17+$0xFFFFFFD0] =	vst v60  }
0x1f8: {  	[tilespmem:s15+$0x1F0] =	vst v0;
	v0 =	vld.idx.msk [tilespmem:v5+s2+$0x0], $0xffff  }
0x1f9: {  	[tilespmem:s15+$0xFFFFFFF0] =	vst v2  }
0x1fa: {  	[tilespmem:s16+$0x1F0] =	vst v61  }
0x1fb: {  	s12 =	sadd.s32 $0x1, s12;
	[tilespmem:s16+$0xFFFFFFF0] =	vst v63  }
0x1fc: {  	p0 =	sne.s32 s12, s6;
	[tilespmem:s17+$0x1F0] =	vst v62  }
.Ltmp1:
0x1fd: {  	[tilespmem:s17+$0xFFFFFFF0] =	vst v0;
	(pc) =	sbr.rel @p0 .LBB2_1-.Ltmp1, $4  }
0x1fe: {  	[hbm4b:s5+s8] =	stream.strided.scatter [tilespmem:s11], [sflag:$0x1], $0x6400, s9, s8, $0x38;
	[tilespmem:$0xA8C0] =	vst v63  }
0x1ff: {  	_ =	swait.ge [sflag:s7], $0x6400  }
0x200: {  	[sflag:s7] =	ssyncset.done $0x0  }
0x201: {  	[sflag:s7] =	ssyncadd.s32 $0xFFFF9C00  }
0x202: {  	_ =	sfence.sel $0x180000  }
0x203: {  	[bflag:$0x0] =	sbarrier.arrive $0xFFFF  }
0x204: {  	p0 =	sne.s32 s1, $0x0;
	_ =	strace $0x90000047  }
0x205: {  	s0 =	sadd.s32 @!p0 $0x100000, s0;
	[bflag:$0x2] =	sbarrier.arrive $0xFFFF  }
0x206: {  	[sflag:s0] =	ssyncadd.tile.s32 @!p0 $0x1;
	_ =	shalt  }
.Lfunc_end2:
_tile_overlayer_lowered:
.L_overlay_start_2:
0x207: {  	(tag) =	ssettag $0x2  }
0x208: {  	s0 =	rddreg [dreg:$0x0];
	s2 =	stileid.u32  }
0x209: {  	s1 =	rddreg [dreg:$0x1];
	p0 =	sne.s32 s2, $0x0  }
0x20a: {  	s3 =	rddreg [dreg:$0x2];
	[bflag:$0x3] =	sbarrier.arrive $0xFFFF;
	s2 =	simm.s32 @!p0 $0x1C01  }
0x20b: {  	[timem:s3], [sflag:s2] =	dma.local @!p0 [hbm:s0], s1  }
0x20c: {  	s0 =	simm.s32 @!p0 $0x1  }
0x20d: {  	_ =	swait.ge @!p0 [sflag:s0], s1  }
0x20e: {  	s1 =	ssub.s32 @!p0 $0x0, s1;
	[sflag:s0] =	ssyncset.done @!p0 $0x0  }
0x20f: {  	[sflag:s0] =	ssyncadd.s32 @!p0 s1  }
0x210: {  	[bflag:$0x3] =	sbarrier.arrive $0xFFFF  }
0x211: {  	_ =	shalt  }

</sc_bundles>
